<compile_context>
chip_gen: v7x
topology: tpu7x:2x2x1
jax: 0.10.2.dev20260603
libtpu: 0.0.44.dev20260713+nightly
codegen_flags: <defaults>
</compile_context>

<pallas_src>
import functools

import jax
import jax.numpy as jnp
from jax import lax
from jax.experimental import pallas as pl
from jax.experimental.pallas import tpu as pltpu
from jax.experimental.pallas import tpu_sc as plsc

B = 10
NPG = 1000
DEG = 32
EPG = NPG * DEG
E = B * EPG
C1 = 600
C2 = 400
K1 = 300
K2 = 200
NH = 128

_PREC = lax.Precision.HIGHEST


def _dot(a, b):
    return jnp.dot(a, b, precision=_PREC, preferred_element_type=jnp.float32)


def _pipeline_body(a_ref, x_ref,
                   w1_ref, b1_ref, w2_ref, b2_ref, w3_ref, b3_ref,
                   wp1_ref, wp2_ref, wp3_ref, bp_ref,
                   wf1_ref, wf2_ref, wf3_ref, bf_ref,
                   l1a_ref, l1c_ref, l1b_ref, l2w_ref, l2b_ref,
                   l3w_ref, l3b_ref, out_ref):
    A = a_ref[0]
    x = x_ref[0]

    deg = jnp.sum(A, axis=1, keepdims=True) + 1.0
    dinv = lax.rsqrt(deg)

    def conv(h, w_ref, b_ref):
        u = dinv * _dot(h, w_ref[...])
        return jnp.maximum(dinv * (_dot(A, u) + u) + b_ref[...], 0.0)

    h1 = conv(x, w1_ref, b1_ref)
    h2 = conv(h1, w2_ref, b2_ref)
    h3 = conv(h2, w3_ref, b3_ref)

    z = _dot(h1, wp1_ref[...]) + _dot(h2, wp2_ref[...]) + _dot(h3, wp3_ref[...])
    y = _dot(h1, wf1_ref[...]) + _dot(h2, wf2_ref[...]) + _dot(h3, wf3_ref[...])

    bp = bp_ref[...]
    bf = bf_ref[...]

    def branch(lo, size, k):
        A_s = A[lo:lo + size, lo:lo + size]
        z_s = z[lo:lo + size]
        y_s = y[lo:lo + size]
        deg_s = jnp.sum(A_s, axis=1, keepdims=True) + 1.0
        d_s = lax.rsqrt(deg_s)
        u = d_s * z_s
        s = d_s * (_dot(A_s, u) + u) + bp
        srow = lax.dot_general(
            jnp.ones((size, 1), jnp.float32), s,
            dimension_numbers=(((1,), (1,)), ((), ())),
            precision=_PREC, preferred_element_type=jnp.float32)
        scol = jnp.broadcast_to(s, (size, size))
        ridx = lax.broadcasted_iota(jnp.int32, (size, size), 0)
        cidx = lax.broadcasted_iota(jnp.int32, (size, size), 1)
        gt = (srow > scol).astype(jnp.float32)
        tie = ((srow == scol) & (cidx < ridx)).astype(jnp.float32)
        rank = jnp.sum(gt + tie, axis=1, keepdims=True)
        m = (rank < float(k)).astype(jnp.float32)

        ph = m * jnp.tanh(s) * y_s
        degp = _dot(A_s, m) + 1.0
        dp = m * lax.rsqrt(degp)
        up = dp * ph
        f = jnp.maximum(dp * (_dot(A_s, up) + up) + bf, 0.0)
        return jnp.sum(m * f, axis=0, keepdims=True) / float(k)

    g1 = branch(0, C1, K1)
    g2 = branch(C1, C2, K2)

    p = jnp.maximum(_dot(g1, l1a_ref[...]) + _dot(g2, l1c_ref[...])
                    + l1b_ref[...], 0.0)
    p = jnp.maximum(_dot(p, l2w_ref[...]) + l2b_ref[...], 0.0)
    p = _dot(p, l3w_ref[...]) + l3b_ref[...]
    out_ref[0] = p


def _dense_pipeline(araw, x3, W1, b1, W2, b2, W3, b3, Wp, bp, Wf, bf,
                    l1W, l1b, l2W, l2b, l3W, l3b):
    Wpt = Wp.T
    Wft = Wf.T
    l1Wt = l1W.T
    row = lambda v: v.reshape(1, -1)

    def wspec(*shape):
        return pl.BlockSpec(shape, lambda g: (0,) * len(shape))

    return pl.pallas_call(
        _pipeline_body,
        grid=(B,),
        in_specs=[
            pl.BlockSpec((1, NPG, NPG), lambda g: (g, 0, 0)),
            pl.BlockSpec((1, NPG, NH), lambda g: (g, 0, 0)),
            wspec(NH, NH), wspec(1, NH),
            wspec(NH, NH), wspec(1, NH),
            wspec(NH, NH), wspec(1, NH),
            wspec(NH, 1), wspec(NH, 1), wspec(NH, 1), wspec(1, 1),
            wspec(NH, NH), wspec(NH, NH), wspec(NH, NH), wspec(1, NH),
            wspec(NH, NH), wspec(NH, NH), wspec(1, NH),
            wspec(NH, NH // 2), wspec(1, NH // 2),
            wspec(NH // 2, NH), wspec(1, NH),
        ],
        out_specs=pl.BlockSpec((1, 1, NH), lambda g: (g, 0, 0)),
        out_shape=jax.ShapeDtypeStruct((B, 1, NH), jnp.float32),
    )(
        araw, x3,
        W1.T, row(b1), W2.T, row(b2), W3.T, row(b3),
        Wpt[0:NH], Wpt[NH:2 * NH], Wpt[2 * NH:3 * NH], bp.reshape(1, 1),
        Wft[0:NH], Wft[NH:2 * NH], Wft[2 * NH:3 * NH], row(bf),
        l1Wt[0:NH], l1Wt[NH:2 * NH], row(l1b),
        l2W.T, row(l2b),
        jnp.pad(l3W.T, ((0, 0), (0, NH - 2))),
        jnp.pad(row(l3b), ((0, 0), (0, NH - 2))),
    )[:, 0, :2]


_NC = 2
_NS = 16
_NW = _NC * _NS
_NBLK = 8
_ROWS = NPG // _NBLK
_UNITS = B * _NBLK
_ACC = _ROWS * NPG
_CH = 2000
_UPW = -(-_UNITS // _NW)


def _adj_body(src_hbm, dst_hbm, zero_hbm, out_hbm, acc, sbuf, dbuf):
    wid = lax.axis_index("s") * _NC + lax.axis_index("c")

    def do_unit(unit):
        g = unit // _NBLK
        lo = unit % _NBLK * _ROWS
        pltpu.sync_copy(zero_hbm, acc)
        gbase = g * NPG

        def chunk_body(ci, _):
            off = pl.multiple_of(g * EPG + ci * _CH, _CH)
            pltpu.sync_copy(src_hbm.at[pl.ds(off, _CH)], sbuf)
            pltpu.sync_copy(dst_hbm.at[pl.ds(off, _CH)], dbuf)

            def vbody(i, _):
                sv = sbuf[pl.ds(i * 16, 16)]
                dv = dbuf[pl.ds(i * 16, 16)]
                dl = dv - (gbase + lo)
                sl = sv - gbase
                mask = (dl >= 0) & (dl < _ROWS)
                flat = jnp.where(mask, dl * NPG + sl, 0)
                plsc.addupdate_scatter(acc, [flat],
                                       jnp.ones((16,), jnp.float32), mask=mask)
                return 0

            lax.fori_loop(0, _CH // 16, vbody, 0, unroll=4)
            return 0

        lax.fori_loop(0, EPG // _CH, chunk_body, 0)
        pltpu.sync_copy(acc, out_hbm.at[pl.ds(unit * _ACC, _ACC)])

    for t in range(_UPW):
        unit = wid + t * _NW
        if t * _NW + _NW <= _UNITS:
            do_unit(unit)
        else:
            @pl.when(unit < _UNITS)
            def _():
                do_unit(unit)


def _build_adjacency(src, dst):
    mesh = plsc.VectorSubcoreMesh(core_axis_name="c", subcore_axis_name="s")
    f = functools.partial(
        pl.kernel, mesh=mesh,
        compiler_params=pltpu.CompilerParams(needs_layout_passes=False),
        out_type=jax.ShapeDtypeStruct((B * NPG * NPG,), jnp.float32),
        scratch_types=[
            pltpu.VMEM((_ACC,), jnp.float32),
            pltpu.VMEM((_CH,), jnp.int32),
            pltpu.VMEM((_CH,), jnp.int32),
        ],
    )(_adj_body)
    zero = jnp.zeros((_ACC,), jnp.float32)
    return f(src, dst, zero).reshape(B, NPG, NPG)


def kernel(x, W1, b1, W2, b2, W3, b3, Wp, bp, Wf, bf,
           l1W, l1b, l2W, l2b, l3W, l3b, edge_index, batch, c1, c2):
    araw = _build_adjacency(edge_index[0], edge_index[1])
    x3 = x.reshape(B, NPG, NH)
    return _dense_pipeline(araw, x3, W1, b1, W2, b2, W3, b3, Wp, bp, Wf, bf,
                           l1W, l1b, l2W, l2b, l3W, l3b)

# --- scband reference (transcript-rebuilt; emitter-appended) ---
"""Pipeline reference for scband-sagpool-50981261804239 (READ-ONLY COPY).

The authoritative reference and input builder live on the scoring server;
editing this copy changes nothing except your own understanding.
"""

import jax, jax.numpy as jnp
import numpy as np

NHID = 128
NFEAT = 128
NUM_LAYER = 3
RATIO = 0.5
NUM_CLASS = 2
B = 10
NPG = 1000
C1 = 600
C2 = 400
N = B * NPG
DEG = 32
E = N * DEG
D = NHID * NUM_LAYER


def setup_inputs(seed: int = 0):
    key = jax.random.key(seed)
    ks = jax.random.split(key, 16)
    rng = np.random.default_rng(0)
    x = jax.random.normal(ks[0], (N, NFEAT), dtype=jnp.float32)
    g = np.repeat(np.arange(B), NPG * DEG)
    src = rng.integers(0, NPG, size=E) + g * NPG
    dst = rng.integers(0, NPG, size=E) + g * NPG
    edge_index = jnp.asarray(np.stack([src, dst]), dtype=jnp.int32)
    batch = jnp.asarray(np.repeat(np.arange(B), NPG), dtype=jnp.int32)
    c1 = jnp.full((B,), C1, dtype=jnp.int32)
    c2 = jnp.full((B,), C2, dtype=jnp.int32)

    def xav(k, shape):
        fan_out, fan_in = shape
        s = (2.0 / (fan_in + fan_out)) ** 0.5
        return jax.random.normal(k, shape, dtype=jnp.float32) * s

    W1 = xav(ks[1], (NHID, NFEAT)); b1 = jnp.zeros((NHID,), jnp.float32)
    W2 = xav(ks[2], (NHID, NHID)); b2 = jnp.zeros((NHID,), jnp.float32)
    W3 = xav(ks[3], (NHID, NHID)); b3 = jnp.zeros((NHID,), jnp.float32)
    Wp = xav(ks[4], (1, D)); bp = jnp.zeros((1,), jnp.float32)
    Wf = xav(ks[5], (NHID, D)); bf = jnp.zeros((NHID,), jnp.float32)
    l1W = xav(ks[6], (NHID, 2 * NHID)); l1b = jnp.zeros((NHID,), jnp.float32)
    l2W = xav(ks[7], (NHID // 2, NHID)); l2b = jnp.zeros((NHID // 2,), jnp.float32)
    l3W = xav(ks[8], (NUM_CLASS, NHID // 2)); l3b = jnp.zeros((NUM_CLASS,), jnp.float32)
    return {"x": x, "W1": W1, "b1": b1, "W2": W2, "b2": b2, "W3": W3, "b3": b3,
            "Wp": Wp, "bp": bp, "Wf": Wf, "bf": bf,
            "l1W": l1W, "l1b": l1b, "l2W": l2W, "l2b": l2b, "l3W": l3W, "l3b": l3b,
            "edge_index": edge_index, "batch": batch, "c1": c1, "c2": c2}


def gcn_conv(x, ei, W, b):
    n = x.shape[0]
    loop = jnp.arange(n, dtype=ei.dtype)
    row = jnp.concatenate([ei[0], loop])
    col = jnp.concatenate([ei[1], loop])
    deg = jnp.zeros((n,), jnp.float32).at[col].add(1.0)
    dinv = jnp.where(deg > 0, deg ** -0.5, 0.0)
    norm = dinv[row] * dinv[col]
    h = x @ W.T
    out = jnp.zeros((n, h.shape[1]), h.dtype).at[col].add(norm[:, None] * h[row])
    return out + b


def gcn_conv_masked(x, rows, cols, emask, W, b):
    n = x.shape[0]
    loop = jnp.arange(n, dtype=rows.dtype)
    row = jnp.concatenate([rows, loop])
    col = jnp.concatenate([cols, loop])
    w = jnp.concatenate([emask.astype(jnp.float32), jnp.ones((n,), jnp.float32)])
    deg = jnp.zeros((n,), jnp.float32).at[col].add(w)
    dinv = jnp.where(deg > 0, deg ** -0.5, 0.0)
    norm = dinv[row] * dinv[col] * w
    h = x @ W.T
    out = jnp.zeros((n, h.shape[1]), h.dtype).at[col].add(norm[:, None] * h[row])
    return out + b


def filter_adj(rows, cols, emask, perm, num_nodes):
    mask = jnp.full((num_nodes,), -1, dtype=jnp.int32).at[perm].set(
        jnp.arange(perm.shape[0], dtype=jnp.int32))
    r = mask[rows]
    c = mask[cols]
    keep = emask & (r >= 0) & (c >= 0)
    return jnp.where(keep, r, 0), jnp.where(keep, c, 0), keep


def topk_perm(score, num_groups, group_size, ratio):
    k = int(np.ceil(ratio * group_size))
    s = score.reshape(num_groups, group_size)
    order = jnp.argsort(-s, axis=1, stable=True)[:, :k].astype(jnp.int32)
    offs = jnp.arange(num_groups, dtype=jnp.int32)[:, None] * group_size
    return (order + offs).reshape(-1)


def split_indices(c1, c2):
    off = jnp.concatenate(
        [jnp.zeros((1,), c1.dtype), jnp.cumsum(c1 + c2)[:-1]])
    c1_idx = (off[:, None] + jnp.arange(C1, dtype=c1.dtype)[None, :]).reshape(-1)
    c2_idx = (off[:, None] + c1[:, None] + jnp.arange(C2, dtype=c1.dtype)[None, :]).reshape(-1)
    return c1_idx, c2_idx


def gap(x, batch_arr, num_graphs):
    s = jnp.zeros((num_graphs, x.shape[1]), x.dtype).at[batch_arr].add(x)
    cnt = jnp.zeros((num_graphs,), x.dtype).at[batch_arr].add(1.0)
    return s / jnp.clip(cnt, 1.0)[:, None]


def reference(x, W1, b1, W2, b2, W3, b3, Wp, bp, Wf, bf, l1W, l1b, l2W, l2b, l3W, l3b, edge_index, batch, c1, c2):
    n = x.shape[0]
    num_graphs = batch.shape[0] // NPG
    h1 = jax.nn.relu(gcn_conv(x, edge_index, W1, b1))
    h2 = jax.nn.relu(gcn_conv(h1, edge_index, W2, b2))
    h3 = jax.nn.relu(gcn_conv(h2, edge_index, W3, b3))
    xc = jnp.concatenate([h1, h2, h3], axis=1)
    c1_idx, c2_idx = split_indices(c1, c2)
    x_c1 = xc[c1_idx]; batch_c1 = batch[c1_idx]
    x_c2 = xc[c2_idx]; batch_c2 = batch[c2_idx]
    all_edges = jnp.ones((edge_index.shape[1],), dtype=bool)
    r1, col1, m1 = filter_adj(edge_index[0], edge_index[1], all_edges, c1_idx, n)
    r2, col2, m2 = filter_adj(edge_index[0], edge_index[1], all_edges, c2_idx, n)
    score1 = gcn_conv_masked(x_c1, r1, col1, m1, Wp, bp)[:, 0]
    score2 = gcn_conv_masked(x_c2, r2, col2, m2, Wp, bp)[:, 0]
    perm1 = topk_perm(score1, num_graphs, x_c1.shape[0] // num_graphs, RATIO)
    perm2 = topk_perm(score2, num_graphs, x_c2.shape[0] // num_graphs, RATIO)
    px1 = x_c1[perm1] * jnp.tanh(score1[perm1])[:, None]
    px2 = x_c2[perm2] * jnp.tanh(score2[perm2])[:, None]
    pb1 = batch_c1[perm1]
    pb2 = batch_c2[perm2]
    pr1, pc1, pm1 = filter_adj(r1, col1, m1, perm1, x_c1.shape[0])
    pr2, pc2, pm2 = filter_adj(r2, col2, m2, perm2, x_c2.shape[0])
    f1 = jax.nn.relu(gcn_conv_masked(px1, pr1, pc1, pm1, Wf, bf))
    f2 = jax.nn.relu(gcn_conv_masked(px2, pr2, pc2, pm2, Wf, bf))
    g1 = gap(f1, pb1, num_graphs)
    g2 = gap(f2, pb2, num_graphs)
    pred = jnp.concatenate([g1, g2], axis=1)
    pred = jax.nn.relu(pred @ l1W.T + l1b)
    pred = jax.nn.relu(pred @ l2W.T + l2b)
    pred = pred @ l3W.T + l3b
    return pred

if __name__ == "__main__":
    import jax
    _d = setup_inputs()
    print(jax.jit(kernel)(*tuple(_d.values())))

</pallas_src>

<mosaic_0001>
#map = affine_map<(d0, d1) -> (0)>
module attributes {stable_mosaic.version = 14 : i64} {
  func.func @_adj_body(%arg0: i32, %arg1: i32, %arg2: memref<320000xi32, #tpu.memory_space<hbm>>, %arg3: memref<320000xi32, #tpu.memory_space<hbm>>, %arg4: memref<125000xf32, #tpu.memory_space<hbm>>, %arg5: memref<10000000xf32, #tpu.memory_space<hbm>>, %arg6: memref<125000xf32, #tpu.memory_space<vmem>>, %arg7: memref<2000xi32, #tpu.memory_space<vmem>>, %arg8: memref<2000xi32, #tpu.memory_space<vmem>>) attributes {dimension_semantics = [#tpu.dimension_semantics<core_parallel>, #tpu.dimension_semantics<subcore_parallel>], iteration_bounds = array<i64: 2, 16>, scalar_prefetch = 0 : i64, scratch_operands = 3 : i64, tpu.core_type = #tpu.core_type<sc_vector_subcore>, window_params = [{transform_indices = #map}, {transform_indices = #map}, {transform_indices = #map}, {transform_indices = #map}]} {
    %mul3A = arith.constant 2 : i32
    %mul3A_0 = arith.muli %arg1, %mul3A : i32
    %add3A = arith.addi %mul3A_0, %arg0 : i32
    %add3A_1 = arith.constant 0 : i32
    %add3A_2 = arith.addi %add3A, %add3A_1 : i32
    %jit3A = arith.constant 8 : i32
    %div3A = arith.divsi %add3A_2, %jit3A : i32
    %sign3A = arith.constant 0 : i32
    %sign3A_3 = arith.cmpi sgt, %add3A_2, %sign3A : i32
    %sign3A_4 = arith.extui %sign3A_3 : i1 to i32
    %sign3A_5 = arith.constant 0 : i32
    %sign3A_6 = arith.cmpi slt, %add3A_2, %sign3A_5 : i32
    %sign3A_7 = arith.extui %sign3A_6 : i1 to i32
    %sign3A_8 = arith.subi %sign3A_4, %sign3A_7 : i32
    %sign3A_9 = arith.constant 0 : i32
    %sign3A_10 = arith.cmpi sgt, %jit3A, %sign3A_9 : i32
    %sign3A_11 = arith.extui %sign3A_10 : i1 to i32
    %sign3A_12 = arith.constant 0 : i32
    %sign3A_13 = arith.cmpi slt, %jit3A, %sign3A_12 : i32
    %sign3A_14 = arith.extui %sign3A_13 : i1 to i32
    %sign3A_15 = arith.subi %sign3A_11, %sign3A_14 : i32
    %ne3A = arith.cmpi ne, %sign3A_8, %sign3A_15 : i32
    %rem3A = arith.remsi %add3A_2, %jit3A : i32
    %ne3A_16 = arith.constant 0 : i32
    %ne3A_17 = arith.cmpi ne, %rem3A, %ne3A_16 : i32
    %and3A = arith.andi %ne3A, %ne3A_17 : i1
    %sub3A = arith.constant 1 : i32
    %sub3A_18 = arith.subi %div3A, %sub3A : i32
    %select_n3A = arith.select %and3A, %sub3A_18, %div3A : i32
    %jit3A_19 = arith.constant 8 : i32
    %eq3A = arith.constant 0 : i32
    %eq3A_20 = arith.cmpi eq, %jit3A_19, %eq3A : i32
    %jit3A_21 = arith.constant 1 : i32
    %select_n3A_22 = arith.select %eq3A_20, %jit3A_21, %jit3A_19 : i32
    %rem3A_23 = arith.remsi %add3A_2, %select_n3A_22 : i32
    %ne3A_24 = arith.constant 0 : i32
    %ne3A_25 = arith.cmpi ne, %rem3A_23, %ne3A_24 : i32
    %lt3A = arith.constant 0 : i32
    %lt3A_26 = arith.cmpi slt, %rem3A_23, %lt3A : i32
    %lt3A_27 = arith.constant 0 : i32
    %lt3A_28 = arith.cmpi slt, %select_n3A_22, %lt3A_27 : i32
    %ne3A_29 = arith.xori %lt3A_26, %lt3A_28 : i1
    %and3A_30 = arith.andi %ne3A_29, %ne3A_25 : i1
    %add3A_31 = arith.addi %rem3A_23, %select_n3A_22 : i32
    %select_n3A_32 = arith.select %and3A_30, %add3A_31, %rem3A_23 : i32
    %mul3A_33 = arith.constant 125 : i32
    %mul3A_34 = arith.muli %select_n3A_32, %mul3A_33 : i32
    "tpu.region"() ({
      %run_scoped3A = tpu.sem_alloc : memref<!tpu.dma_semaphore, #tpu.memory_space<semaphore_mem>>
      tpu.enqueue_dma source(%arg4 : memref<125000xf32, #tpu.memory_space<hbm>>) target(%arg6 : memref<125000xf32, #tpu.memory_space<vmem>>) target_semaphore(%run_scoped3A : memref<!tpu.dma_semaphore, #tpu.memory_space<semaphore_mem>>)
      tpu.wait_dma2 semaphore(%run_scoped3A : memref<!tpu.dma_semaphore, #tpu.memory_space<semaphore_mem>>) src(%arg4 : memref<125000xf32, #tpu.memory_space<hbm>>) dst(%arg6 : memref<125000xf32, #tpu.memory_space<vmem>>)
      tpu.yield
    }) : () -> ()
    %mul3A_35 = arith.constant 1000 : i32
    %mul3A_36 = arith.muli %select_n3A, %mul3A_35 : i32
    %scan3A = arith.constant 0 : i32
    %scan3A_37 = arith.constant 0 : i32
    %scan3A_38 = arith.constant 16 : i32
    %scan3A_39 = arith.addi %scan3A_37, %scan3A_38 : i32
    %scan3A_40 = arith.constant 1 : i32
    %scan3A_41 = scf.for %scan3A_105 = %scan3A_37 to %scan3A_39 step %scan3A_40 iter_args(%scan3A_106 = %scan3A) -> (i32)  : i32 {
      %mul3A_107 = arith.constant 32000 : i32
      %mul3A_108 = arith.muli %select_n3A, %mul3A_107 : i32
      %mul3A_109 = arith.constant 2000 : i32
      %mul3A_110 = arith.muli %scan3A_105, %mul3A_109 : i32
      %add3A_111 = arith.addi %mul3A_108, %mul3A_110 : i32
      %multiple_of3A = tpu.assume_multiple %add3A_111, 2000 : i32
      "tpu.region"() ({
        %run_scoped3A = tpu.sem_alloc : memref<!tpu.dma_semaphore, #tpu.memory_space<semaphore_mem>>
        %dma_start3A = tpu.memref_slice %arg2[%multiple_of3A] : memref<320000xi32, #tpu.memory_space<hbm>> -> memref<2000xi32, #tpu.memory_space<hbm>>
        %dma_start3A_149 = tpu.memref_slice %arg2[%multiple_of3A] : memref<320000xi32, #tpu.memory_space<hbm>> -> memref<2000xi32, #tpu.memory_space<hbm>>
        tpu.enqueue_dma source(%dma_start3A_149 : memref<2000xi32, #tpu.memory_space<hbm>>) target(%arg7 : memref<2000xi32, #tpu.memory_space<vmem>>) target_semaphore(%run_scoped3A : memref<!tpu.dma_semaphore, #tpu.memory_space<semaphore_mem>>)
        %dma_wait3A = tpu.memref_slice %arg2[%multiple_of3A] : memref<320000xi32, #tpu.memory_space<hbm>> -> memref<2000xi32, #tpu.memory_space<hbm>>
        %dma_wait3A_150 = tpu.memref_slice %arg2[%multiple_of3A] : memref<320000xi32, #tpu.memory_space<hbm>> -> memref<2000xi32, #tpu.memory_space<hbm>>
        tpu.wait_dma2 semaphore(%run_scoped3A : memref<!tpu.dma_semaphore, #tpu.memory_space<semaphore_mem>>) src(%dma_wait3A_150 : memref<2000xi32, #tpu.memory_space<hbm>>) dst(%arg7 : memref<2000xi32, #tpu.memory_space<vmem>>)
        tpu.yield
      }) : () -> ()
      "tpu.region"() ({
        %run_scoped3A = tpu.sem_alloc : memref<!tpu.dma_semaphore, #tpu.memory_space<semaphore_mem>>
        %dma_start3A = tpu.memref_slice %arg3[%multiple_of3A] : memref<320000xi32, #tpu.memory_space<hbm>> -> memref<2000xi32, #tpu.memory_space<hbm>>
        %dma_start3A_149 = tpu.memref_slice %arg3[%multiple_of3A] : memref<320000xi32, #tpu.memory_space<hbm>> -> memref<2000xi32, #tpu.memory_space<hbm>>
        tpu.enqueue_dma source(%dma_start3A_149 : memref<2000xi32, #tpu.memory_space<hbm>>) target(%arg8 : memref<2000xi32, #tpu.memory_space<vmem>>) target_semaphore(%run_scoped3A : memref<!tpu.dma_semaphore, #tpu.memory_space<semaphore_mem>>)
        %dma_wait3A = tpu.memref_slice %arg3[%multiple_of3A] : memref<320000xi32, #tpu.memory_space<hbm>> -> memref<2000xi32, #tpu.memory_space<hbm>>
        %dma_wait3A_150 = tpu.memref_slice %arg3[%multiple_of3A] : memref<320000xi32, #tpu.memory_space<hbm>> -> memref<2000xi32, #tpu.memory_space<hbm>>
        tpu.wait_dma2 semaphore(%run_scoped3A : memref<!tpu.dma_semaphore, #tpu.memory_space<semaphore_mem>>) src(%dma_wait3A_150 : memref<2000xi32, #tpu.memory_space<hbm>>) dst(%arg8 : memref<2000xi32, #tpu.memory_space<vmem>>)
        tpu.yield
      }) : () -> ()
      %scan3A_112 = arith.constant 0 : i32
      %scan3A_113 = arith.constant 0 : i32
      %scan3A_114 = arith.constant 124 : i32
      %scan3A_115 = arith.addi %scan3A_113, %scan3A_114 : i32
      %scan3A_116 = arith.constant 4 : i32
      %scan3A_117 = scf.for %scan3A_149 = %scan3A_113 to %scan3A_115 step %scan3A_116 iter_args(%scan3A_150 = %scan3A_112) -> (i32)  : i32 {
        %mul3A_151 = arith.constant 16 : i32
        %mul3A_152 = arith.muli %scan3A_149, %mul3A_151 : i32
        %get3A_153 = arith.index_cast %mul3A_152 : i32 to index
        %get3A_154 = tpu.vector_load %arg7[%get3A_153] {strides = array<i32>} : memref<2000xi32, #tpu.memory_space<vmem>>, vector<16xi32>,
        %mul3A_155 = arith.constant 16 : i32
        %mul3A_156 = arith.muli %scan3A_149, %mul3A_155 : i32
        %get3A_157 = arith.index_cast %mul3A_156 : i32 to index
        %get3A_158 = tpu.vector_load %arg8[%get3A_157] {strides = array<i32>} : memref<2000xi32, #tpu.memory_space<vmem>>, vector<16xi32>,
        %add3A_159 = arith.addi %mul3A_36, %mul3A_34 : i32
        %sub3A_160 = vector.broadcast %add3A_159 : i32 to vector<16xi32>
        %sub3A_161 = arith.subi %get3A_158, %sub3A_160 : vector<16xi32>
        %sub3A_162 = vector.broadcast %mul3A_36 : i32 to vector<16xi32>
        %sub3A_163 = arith.subi %get3A_154, %sub3A_162 : vector<16xi32>
        %ge3A_164 = arith.constant 0 : i32
        %ge3A_165 = vector.broadcast %ge3A_164 : i32 to vector<16xi32>
        %ge3A_166 = arith.cmpi sge, %sub3A_161, %ge3A_165 : vector<16xi32>
        %lt3A_167 = arith.constant 125 : i32
        %lt3A_168 = vector.broadcast %lt3A_167 : i32 to vector<16xi32>
        %lt3A_169 = arith.cmpi slt, %sub3A_161, %lt3A_168 : vector<16xi32>
        %and3A_170 = arith.andi %ge3A_166, %lt3A_169 : vector<16xi1>
        %mul3A_171 = arith.constant 1000 : i32
        %mul3A_172 = vector.broadcast %mul3A_171 : i32 to vector<16xi32>
        %mul3A_173 = arith.muli %sub3A_161, %mul3A_172 : vector<16xi32>
        %add3A_174 = arith.addi %mul3A_173, %sub3A_163 : vector<16xi32>
        %jit3A_175 = arith.constant 0 : i32
        %broadcast_in_dim3A_176 = vector.broadcast %jit3A_175 : i32 to vector<16xi32>
        %select_n3A_177 = arith.select %and3A_170, %add3A_174, %broadcast_in_dim3A_176 : vector<16xi1>, vector<16xi32>
        %broadcast_in_dim3A_178 = arith.constant 1.000000e+00 : f32
        %broadcast_in_dim3A_179 = vector.broadcast %broadcast_in_dim3A_178 : f32 to vector<16xf32>
        tpu.vector_store_idx %arg6[%select_n3A_177], %broadcast_in_dim3A_179 masked %and3A_170 {add = true} : memref<125000xf32, #tpu.memory_space<vmem>>[vector<16xi32>], vector<16xf32>, vector<16xi1>
        %scan3A_180 = arith.constant 0 : i32
        %scan3A_181 = arith.constant 1 : i32
        %scan3A_182 = arith.addi %scan3A_149, %scan3A_181 : i32
        %mul3A_183 = arith.constant 16 : i32
        %mul3A_184 = arith.muli %scan3A_182, %mul3A_183 : i32
        %get3A_185 = arith.index_cast %mul3A_184 : i32 to index
        %get3A_186 = tpu.vector_load %arg7[%get3A_185] {strides = array<i32>} : memref<2000xi32, #tpu.memory_space<vmem>>, vector<16xi32>,
        %mul3A_187 = arith.constant 16 : i32
        %mul3A_188 = arith.muli %scan3A_182, %mul3A_187 : i32
        %get3A_189 = arith.index_cast %mul3A_188 : i32 to index
        %get3A_190 = tpu.vector_load %arg8[%get3A_189] {strides = array<i32>} : memref<2000xi32, #tpu.memory_space<vmem>>, vector<16xi32>,
        %add3A_191 = arith.addi %mul3A_36, %mul3A_34 : i32
        %sub3A_192 = vector.broadcast %add3A_191 : i32 to vector<16xi32>
        %sub3A_193 = arith.subi %get3A_190, %sub3A_192 : vector<16xi32>
        %sub3A_194 = vector.broadcast %mul3A_36 : i32 to vector<16xi32>
        %sub3A_195 = arith.subi %get3A_186, %sub3A_194 : vector<16xi32>
        %ge3A_196 = arith.constant 0 : i32
        %ge3A_197 = vector.broadcast %ge3A_196 : i32 to vector<16xi32>
        %ge3A_198 = arith.cmpi sge, %sub3A_193, %ge3A_197 : vector<16xi32>
        %lt3A_199 = arith.constant 125 : i32
        %lt3A_200 = vector.broadcast %lt3A_199 : i32 to vector<16xi32>
        %lt3A_201 = arith.cmpi slt, %sub3A_193, %lt3A_200 : vector<16xi32>
        %and3A_202 = arith.andi %ge3A_198, %lt3A_201 : vector<16xi1>
        %mul3A_203 = arith.constant 1000 : i32
        %mul3A_204 = vector.broadcast %mul3A_203 : i32 to vector<16xi32>
        %mul3A_205 = arith.muli %sub3A_193, %mul3A_204 : vector<16xi32>
        %add3A_206 = arith.addi %mul3A_205, %sub3A_195 : vector<16xi32>
        %jit3A_207 = arith.constant 0 : i32
        %broadcast_in_dim3A_208 = vector.broadcast %jit3A_207 : i32 to vector<16xi32>
        %select_n3A_209 = arith.select %and3A_202, %add3A_206, %broadcast_in_dim3A_208 : vector<16xi1>, vector<16xi32>
        %broadcast_in_dim3A_210 = arith.constant 1.000000e+00 : f32
        %broadcast_in_dim3A_211 = vector.broadcast %broadcast_in_dim3A_210 : f32 to vector<16xf32>
        tpu.vector_store_idx %arg6[%select_n3A_209], %broadcast_in_dim3A_211 masked %and3A_202 {add = true} : memref<125000xf32, #tpu.memory_space<vmem>>[vector<16xi32>], vector<16xf32>, vector<16xi1>
        %scan3A_212 = arith.constant 0 : i32
        %scan3A_213 = arith.constant 2 : i32
        %scan3A_214 = arith.addi %scan3A_149, %scan3A_213 : i32
        %mul3A_215 = arith.constant 16 : i32
        %mul3A_216 = arith.muli %scan3A_214, %mul3A_215 : i32
        %get3A_217 = arith.index_cast %mul3A_216 : i32 to index
        %get3A_218 = tpu.vector_load %arg7[%get3A_217] {strides = array<i32>} : memref<2000xi32, #tpu.memory_space<vmem>>, vector<16xi32>,
        %mul3A_219 = arith.constant 16 : i32
        %mul3A_220 = arith.muli %scan3A_214, %mul3A_219 : i32
        %get3A_221 = arith.index_cast %mul3A_220 : i32 to index
        %get3A_222 = tpu.vector_load %arg8[%get3A_221] {strides = array<i32>} : memref<2000xi32, #tpu.memory_space<vmem>>, vector<16xi32>,
        %add3A_223 = arith.addi %mul3A_36, %mul3A_34 : i32
        %sub3A_224 = vector.broadcast %add3A_223 : i32 to vector<16xi32>
        %sub3A_225 = arith.subi %get3A_222, %sub3A_224 : vector<16xi32>
        %sub3A_226 = vector.broadcast %mul3A_36 : i32 to vector<16xi32>
        %sub3A_227 = arith.subi %get3A_218, %sub3A_226 : vector<16xi32>
        %ge3A_228 = arith.constant 0 : i32
        %ge3A_229 = vector.broadcast %ge3A_228 : i32 to vector<16xi32>
        %ge3A_230 = arith.cmpi sge, %sub3A_225, %ge3A_229 : vector<16xi32>
        %lt3A_231 = arith.constant 125 : i32
        %lt3A_232 = vector.broadcast %lt3A_231 : i32 to vector<16xi32>
        %lt3A_233 = arith.cmpi slt, %sub3A_225, %lt3A_232 : vector<16xi32>
        %and3A_234 = arith.andi %ge3A_230, %lt3A_233 : vector<16xi1>
        %mul3A_235 = arith.constant 1000 : i32
        %mul3A_236 = vector.broadcast %mul3A_235 : i32 to vector<16xi32>
        %mul3A_237 = arith.muli %sub3A_225, %mul3A_236 : vector<16xi32>
        %add3A_238 = arith.addi %mul3A_237, %sub3A_227 : vector<16xi32>
        %jit3A_239 = arith.constant 0 : i32
        %broadcast_in_dim3A_240 = vector.broadcast %jit3A_239 : i32 to vector<16xi32>
        %select_n3A_241 = arith.select %and3A_234, %add3A_238, %broadcast_in_dim3A_240 : vector<16xi1>, vector<16xi32>
        %broadcast_in_dim3A_242 = arith.constant 1.000000e+00 : f32
        %broadcast_in_dim3A_243 = vector.broadcast %broadcast_in_dim3A_242 : f32 to vector<16xf32>
        tpu.vector_store_idx %arg6[%select_n3A_241], %broadcast_in_dim3A_243 masked %and3A_234 {add = true} : memref<125000xf32, #tpu.memory_space<vmem>>[vector<16xi32>], vector<16xf32>, vector<16xi1>
        %scan3A_244 = arith.constant 0 : i32
        %scan3A_245 = arith.constant 3 : i32
        %scan3A_246 = arith.addi %scan3A_149, %scan3A_245 : i32
        %mul3A_247 = arith.constant 16 : i32
        %mul3A_248 = arith.muli %scan3A_246, %mul3A_247 : i32
        %get3A_249 = arith.index_cast %mul3A_248 : i32 to index
        %get3A_250 = tpu.vector_load %arg7[%get3A_249] {strides = array<i32>} : memref<2000xi32, #tpu.memory_space<vmem>>, vector<16xi32>,
        %mul3A_251 = arith.constant 16 : i32
        %mul3A_252 = arith.muli %scan3A_246, %mul3A_251 : i32
        %get3A_253 = arith.index_cast %mul3A_252 : i32 to index
        %get3A_254 = tpu.vector_load %arg8[%get3A_253] {strides = array<i32>} : memref<2000xi32, #tpu.memory_space<vmem>>, vector<16xi32>,
        %add3A_255 = arith.addi %mul3A_36, %mul3A_34 : i32
        %sub3A_256 = vector.broadcast %add3A_255 : i32 to vector<16xi32>
        %sub3A_257 = arith.subi %get3A_254, %sub3A_256 : vector<16xi32>
        %sub3A_258 = vector.broadcast %mul3A_36 : i32 to vector<16xi32>
        %sub3A_259 = arith.subi %get3A_250, %sub3A_258 : vector<16xi32>
        %ge3A_260 = arith.constant 0 : i32
        %ge3A_261 = vector.broadcast %ge3A_260 : i32 to vector<16xi32>
        %ge3A_262 = arith.cmpi sge, %sub3A_257, %ge3A_261 : vector<16xi32>
        %lt3A_263 = arith.constant 125 : i32
        %lt3A_264 = vector.broadcast %lt3A_263 : i32 to vector<16xi32>
        %lt3A_265 = arith.cmpi slt, %sub3A_257, %lt3A_264 : vector<16xi32>
        %and3A_266 = arith.andi %ge3A_262, %lt3A_265 : vector<16xi1>
        %mul3A_267 = arith.constant 1000 : i32
        %mul3A_268 = vector.broadcast %mul3A_267 : i32 to vector<16xi32>
        %mul3A_269 = arith.muli %sub3A_257, %mul3A_268 : vector<16xi32>
        %add3A_270 = arith.addi %mul3A_269, %sub3A_259 : vector<16xi32>
        %jit3A_271 = arith.constant 0 : i32
        %broadcast_in_dim3A_272 = vector.broadcast %jit3A_271 : i32 to vector<16xi32>
        %select_n3A_273 = arith.select %and3A_266, %add3A_270, %broadcast_in_dim3A_272 : vector<16xi1>, vector<16xi32>
        %broadcast_in_dim3A_274 = arith.constant 1.000000e+00 : f32
        %broadcast_in_dim3A_275 = vector.broadcast %broadcast_in_dim3A_274 : f32 to vector<16xf32>
        tpu.vector_store_idx %arg6[%select_n3A_273], %broadcast_in_dim3A_275 masked %and3A_266 {add = true} : memref<125000xf32, #tpu.memory_space<vmem>>[vector<16xi32>], vector<16xf32>, vector<16xi1>
        %scan3A_276 = arith.constant 0 : i32
        scf.yield %scan3A_276 : i32
      }
      %scan3A_118 = arith.constant 124 : i32
      %scan3A_119 = arith.addi %scan3A_113, %scan3A_118 : i32
      %mul3A_120 = arith.constant 16 : i32
      %mul3A_121 = arith.muli %scan3A_119, %mul3A_120 : i32
      %get3A = arith.index_cast %mul3A_121 : i32 to index
      %get3A_122 = tpu.vector_load %arg7[%get3A] {strides = array<i32>} : memref<2000xi32, #tpu.memory_space<vmem>>, vector<16xi32>,
      %mul3A_123 = arith.constant 16 : i32
      %mul3A_124 = arith.muli %scan3A_119, %mul3A_123 : i32
      %get3A_125 = arith.index_cast %mul3A_124 : i32 to index
      %get3A_126 = tpu.vector_load %arg8[%get3A_125] {strides = array<i32>} : memref<2000xi32, #tpu.memory_space<vmem>>, vector<16xi32>,
      %add3A_127 = arith.addi %mul3A_36, %mul3A_34 : i32
      %sub3A_128 = vector.broadcast %add3A_127 : i32 to vector<16xi32>
      %sub3A_129 = arith.subi %get3A_126, %sub3A_128 : vector<16xi32>
      %sub3A_130 = vector.broadcast %mul3A_36 : i32 to vector<16xi32>
      %sub3A_131 = arith.subi %get3A_122, %sub3A_130 : vector<16xi32>
      %ge3A = arith.constant 0 : i32
      %ge3A_132 = vector.broadcast %ge3A : i32 to vector<16xi32>
      %ge3A_133 = arith.cmpi sge, %sub3A_129, %ge3A_132 : vector<16xi32>
      %lt3A_134 = arith.constant 125 : i32
      %lt3A_135 = vector.broadcast %lt3A_134 : i32 to vector<16xi32>
      %lt3A_136 = arith.cmpi slt, %sub3A_129, %lt3A_135 : vector<16xi32>
      %and3A_137 = arith.andi %ge3A_133, %lt3A_136 : vector<16xi1>
      %mul3A_138 = arith.constant 1000 : i32
      %mul3A_139 = vector.broadcast %mul3A_138 : i32 to vector<16xi32>
      %mul3A_140 = arith.muli %sub3A_129, %mul3A_139 : vector<16xi32>
      %add3A_141 = arith.addi %mul3A_140, %sub3A_131 : vector<16xi32>
      %jit3A_142 = arith.constant 0 : i32
      %broadcast_in_dim3A = vector.broadcast %jit3A_142 : i32 to vector<16xi32>
      %select_n3A_143 = arith.select %and3A_137, %add3A_141, %broadcast_in_dim3A : vector<16xi1>, vector<16xi32>
      %broadcast_in_dim3A_144 = arith.constant 1.000000e+00 : f32
      %broadcast_in_dim3A_145 = vector.broadcast %broadcast_in_dim3A_144 : f32 to vector<16xf32>
      tpu.vector_store_idx %arg6[%select_n3A_143], %broadcast_in_dim3A_145 masked %and3A_137 {add = true} : memref<125000xf32, #tpu.memory_space<vmem>>[vector<16xi32>], vector<16xf32>, vector<16xi1>
      %scan3A_146 = arith.constant 0 : i32
      %scan3A_147 = arith.constant 125 : i32
      %scan3A_148 = arith.constant 0 : i32
      scf.yield %scan3A_148 : i32
    }
    %scan3A_42 = arith.constant 16 : i32
    %mul3A_43 = arith.constant 125000 : i32
    %mul3A_44 = arith.muli %add3A_2, %mul3A_43 : i32
    "tpu.region"() ({
      %run_scoped3A = tpu.sem_alloc : memref<!tpu.dma_semaphore, #tpu.memory_space<semaphore_mem>>
      %dma_start3A = tpu.memref_slice %arg5[%mul3A_44] : memref<10000000xf32, #tpu.memory_space<hbm>> -> memref<125000xf32, #tpu.memory_space<hbm>>
      %dma_start3A_105 = tpu.memref_slice %arg5[%mul3A_44] : memref<10000000xf32, #tpu.memory_space<hbm>> -> memref<125000xf32, #tpu.memory_space<hbm>>
      tpu.enqueue_dma source(%arg6 : memref<125000xf32, #tpu.memory_space<vmem>>) target(%dma_start3A_105 : memref<125000xf32, #tpu.memory_space<hbm>>) target_semaphore(%run_scoped3A : memref<!tpu.dma_semaphore, #tpu.memory_space<semaphore_mem>>)
      %dma_wait3A = tpu.memref_slice %arg5[%mul3A_44] : memref<10000000xf32, #tpu.memory_space<hbm>> -> memref<125000xf32, #tpu.memory_space<hbm>>
      %dma_wait3A_106 = tpu.memref_slice %arg5[%mul3A_44] : memref<10000000xf32, #tpu.memory_space<hbm>> -> memref<125000xf32, #tpu.memory_space<hbm>>
      tpu.wait_dma2 semaphore(%run_scoped3A : memref<!tpu.dma_semaphore, #tpu.memory_space<semaphore_mem>>) src(%arg6 : memref<125000xf32, #tpu.memory_space<vmem>>) dst(%dma_wait3A_106 : memref<125000xf32, #tpu.memory_space<hbm>>)
      tpu.yield
    }) : () -> ()
    %add3A_45 = arith.constant 32 : i32
    %add3A_46 = arith.addi %add3A, %add3A_45 : i32
    %jit3A_47 = arith.constant 8 : i32
    %div3A_48 = arith.divsi %add3A_46, %jit3A_47 : i32
    %sign3A_49 = arith.constant 0 : i32
    %sign3A_50 = arith.cmpi sgt, %add3A_46, %sign3A_49 : i32
    %sign3A_51 = arith.extui %sign3A_50 : i1 to i32
    %sign3A_52 = arith.constant 0 : i32
    %sign3A_53 = arith.cmpi slt, %add3A_46, %sign3A_52 : i32
    %sign3A_54 = arith.extui %sign3A_53 : i1 to i32
    %sign3A_55 = arith.subi %sign3A_51, %sign3A_54 : i32
    %sign3A_56 = arith.constant 0 : i32
    %sign3A_57 = arith.cmpi sgt, %jit3A_47, %sign3A_56 : i32
    %sign3A_58 = arith.extui %sign3A_57 : i1 to i32
    %sign3A_59 = arith.constant 0 : i32
    %sign3A_60 = arith.cmpi slt, %jit3A_47, %sign3A_59 : i32
    %sign3A_61 = arith.extui %sign3A_60 : i1 to i32
    %sign3A_62 = arith.subi %sign3A_58, %sign3A_61 : i32
    %ne3A_63 = arith.cmpi ne, %sign3A_55, %sign3A_62 : i32
    %rem3A_64 = arith.remsi %add3A_46, %jit3A_47 : i32
    %ne3A_65 = arith.constant 0 : i32
    %ne3A_66 = arith.cmpi ne, %rem3A_64, %ne3A_65 : i32
    %and3A_67 = arith.andi %ne3A_63, %ne3A_66 : i1
    %sub3A_68 = arith.constant 1 : i32
    %sub3A_69 = arith.subi %div3A_48, %sub3A_68 : i32
    %select_n3A_70 = arith.select %and3A_67, %sub3A_69, %div3A_48 : i32
    %jit3A_71 = arith.constant 8 : i32
    %eq3A_72 = arith.constant 0 : i32
    %eq3A_73 = arith.cmpi eq, %jit3A_71, %eq3A_72 : i32
    %jit3A_74 = arith.constant 1 : i32
    %select_n3A_75 = arith.select %eq3A_73, %jit3A_74, %jit3A_71 : i32
    %rem3A_76 = arith.remsi %add3A_46, %select_n3A_75 : i32
    %ne3A_77 = arith.constant 0 : i32
    %ne3A_78 = arith.cmpi ne, %rem3A_76, %ne3A_77 : i32
    %lt3A_79 = arith.constant 0 : i32
    %lt3A_80 = arith.cmpi slt, %rem3A_76, %lt3A_79 : i32
    %lt3A_81 = arith.constant 0 : i32
    %lt3A_82 = arith.cmpi slt, %select_n3A_75, %lt3A_81 : i32
    %ne3A_83 = arith.xori %lt3A_80, %lt3A_82 : i1
    %and3A_84 = arith.andi %ne3A_83, %ne3A_78 : i1
    %add3A_85 = arith.addi %rem3A_76, %select_n3A_75 : i32
    %select_n3A_86 = arith.select %and3A_84, %add3A_85, %rem3A_76 : i32
    %mul3A_87 = arith.constant 125 : i32
    %mul3A_88 = arith.muli %select_n3A_86, %mul3A_87 : i32
    "tpu.region"() ({
      %run_scoped3A = tpu.sem_alloc : memref<!tpu.dma_semaphore, #tpu.memory_space<semaphore_mem>>
      tpu.enqueue_dma source(%arg4 : memref<125000xf32, #tpu.memory_space<hbm>>) target(%arg6 : memref<125000xf32, #tpu.memory_space<vmem>>) target_semaphore(%run_scoped3A : memref<!tpu.dma_semaphore, #tpu.memory_space<semaphore_mem>>)
      tpu.wait_dma2 semaphore(%run_scoped3A : memref<!tpu.dma_semaphore, #tpu.memory_space<semaphore_mem>>) src(%arg4 : memref<125000xf32, #tpu.memory_space<hbm>>) dst(%arg6 : memref<125000xf32, #tpu.memory_space<vmem>>)
      tpu.yield
    }) : () -> ()
    %mul3A_89 = arith.constant 1000 : i32
    %mul3A_90 = arith.muli %select_n3A_70, %mul3A_89 : i32
    %scan3A_91 = arith.constant 0 : i32
    %scan3A_92 = arith.constant 0 : i32
    %scan3A_93 = arith.constant 16 : i32
    %scan3A_94 = arith.addi %scan3A_92, %scan3A_93 : i32
    %scan3A_95 = arith.constant 1 : i32
    %scan3A_96 = scf.for %scan3A_105 = %scan3A_92 to %scan3A_94 step %scan3A_95 iter_args(%scan3A_106 = %scan3A_91) -> (i32)  : i32 {
      %mul3A_107 = arith.constant 32000 : i32
      %mul3A_108 = arith.muli %select_n3A_70, %mul3A_107 : i32
      %mul3A_109 = arith.constant 2000 : i32
      %mul3A_110 = arith.muli %scan3A_105, %mul3A_109 : i32
      %add3A_111 = arith.addi %mul3A_108, %mul3A_110 : i32
      %multiple_of3A = tpu.assume_multiple %add3A_111, 2000 : i32
      "tpu.region"() ({
        %run_scoped3A = tpu.sem_alloc : memref<!tpu.dma_semaphore, #tpu.memory_space<semaphore_mem>>
        %dma_start3A = tpu.memref_slice %arg2[%multiple_of3A] : memref<320000xi32, #tpu.memory_space<hbm>> -> memref<2000xi32, #tpu.memory_space<hbm>>
        %dma_start3A_149 = tpu.memref_slice %arg2[%multiple_of3A] : memref<320000xi32, #tpu.memory_space<hbm>> -> memref<2000xi32, #tpu.memory_space<hbm>>
        tpu.enqueue_dma source(%dma_start3A_149 : memref<2000xi32, #tpu.memory_space<hbm>>) target(%arg7 : memref<2000xi32, #tpu.memory_space<vmem>>) target_semaphore(%run_scoped3A : memref<!tpu.dma_semaphore, #tpu.memory_space<semaphore_mem>>)
        %dma_wait3A = tpu.memref_slice %arg2[%multiple_of3A] : memref<320000xi32, #tpu.memory_space<hbm>> -> memref<2000xi32, #tpu.memory_space<hbm>>
        %dma_wait3A_150 = tpu.memref_slice %arg2[%multiple_of3A] : memref<320000xi32, #tpu.memory_space<hbm>> -> memref<2000xi32, #tpu.memory_space<hbm>>
        tpu.wait_dma2 semaphore(%run_scoped3A : memref<!tpu.dma_semaphore, #tpu.memory_space<semaphore_mem>>) src(%dma_wait3A_150 : memref<2000xi32, #tpu.memory_space<hbm>>) dst(%arg7 : memref<2000xi32, #tpu.memory_space<vmem>>)
        tpu.yield
      }) : () -> ()
      "tpu.region"() ({
        %run_scoped3A = tpu.sem_alloc : memref<!tpu.dma_semaphore, #tpu.memory_space<semaphore_mem>>
        %dma_start3A = tpu.memref_slice %arg3[%multiple_of3A] : memref<320000xi32, #tpu.memory_space<hbm>> -> memref<2000xi32, #tpu.memory_space<hbm>>
        %dma_start3A_149 = tpu.memref_slice %arg3[%multiple_of3A] : memref<320000xi32, #tpu.memory_space<hbm>> -> memref<2000xi32, #tpu.memory_space<hbm>>
        tpu.enqueue_dma source(%dma_start3A_149 : memref<2000xi32, #tpu.memory_space<hbm>>) target(%arg8 : memref<2000xi32, #tpu.memory_space<vmem>>) target_semaphore(%run_scoped3A : memref<!tpu.dma_semaphore, #tpu.memory_space<semaphore_mem>>)
        %dma_wait3A = tpu.memref_slice %arg3[%multiple_of3A] : memref<320000xi32, #tpu.memory_space<hbm>> -> memref<2000xi32, #tpu.memory_space<hbm>>
        %dma_wait3A_150 = tpu.memref_slice %arg3[%multiple_of3A] : memref<320000xi32, #tpu.memory_space<hbm>> -> memref<2000xi32, #tpu.memory_space<hbm>>
        tpu.wait_dma2 semaphore(%run_scoped3A : memref<!tpu.dma_semaphore, #tpu.memory_space<semaphore_mem>>) src(%dma_wait3A_150 : memref<2000xi32, #tpu.memory_space<hbm>>) dst(%arg8 : memref<2000xi32, #tpu.memory_space<vmem>>)
        tpu.yield
      }) : () -> ()
      %scan3A_112 = arith.constant 0 : i32
      %scan3A_113 = arith.constant 0 : i32
      %scan3A_114 = arith.constant 124 : i32
      %scan3A_115 = arith.addi %scan3A_113, %scan3A_114 : i32
      %scan3A_116 = arith.constant 4 : i32
      %scan3A_117 = scf.for %scan3A_149 = %scan3A_113 to %scan3A_115 step %scan3A_116 iter_args(%scan3A_150 = %scan3A_112) -> (i32)  : i32 {
        %mul3A_151 = arith.constant 16 : i32
        %mul3A_152 = arith.muli %scan3A_149, %mul3A_151 : i32
        %get3A_153 = arith.index_cast %mul3A_152 : i32 to index
        %get3A_154 = tpu.vector_load %arg7[%get3A_153] {strides = array<i32>} : memref<2000xi32, #tpu.memory_space<vmem>>, vector<16xi32>,
        %mul3A_155 = arith.constant 16 : i32
        %mul3A_156 = arith.muli %scan3A_149, %mul3A_155 : i32
        %get3A_157 = arith.index_cast %mul3A_156 : i32 to index
        %get3A_158 = tpu.vector_load %arg8[%get3A_157] {strides = array<i32>} : memref<2000xi32, #tpu.memory_space<vmem>>, vector<16xi32>,
        %add3A_159 = arith.addi %mul3A_90, %mul3A_88 : i32
        %sub3A_160 = vector.broadcast %add3A_159 : i32 to vector<16xi32>
        %sub3A_161 = arith.subi %get3A_158, %sub3A_160 : vector<16xi32>
        %sub3A_162 = vector.broadcast %mul3A_90 : i32 to vector<16xi32>
        %sub3A_163 = arith.subi %get3A_154, %sub3A_162 : vector<16xi32>
        %ge3A_164 = arith.constant 0 : i32
        %ge3A_165 = vector.broadcast %ge3A_164 : i32 to vector<16xi32>
        %ge3A_166 = arith.cmpi sge, %sub3A_161, %ge3A_165 : vector<16xi32>
        %lt3A_167 = arith.constant 125 : i32
        %lt3A_168 = vector.broadcast %lt3A_167 : i32 to vector<16xi32>
        %lt3A_169 = arith.cmpi slt, %sub3A_161, %lt3A_168 : vector<16xi32>
        %and3A_170 = arith.andi %ge3A_166, %lt3A_169 : vector<16xi1>
        %mul3A_171 = arith.constant 1000 : i32
        %mul3A_172 = vector.broadcast %mul3A_171 : i32 to vector<16xi32>
        %mul3A_173 = arith.muli %sub3A_161, %mul3A_172 : vector<16xi32>
        %add3A_174 = arith.addi %mul3A_173, %sub3A_163 : vector<16xi32>
        %jit3A_175 = arith.constant 0 : i32
        %broadcast_in_dim3A_176 = vector.broadcast %jit3A_175 : i32 to vector<16xi32>
        %select_n3A_177 = arith.select %and3A_170, %add3A_174, %broadcast_in_dim3A_176 : vector<16xi1>, vector<16xi32>
        %broadcast_in_dim3A_178 = arith.constant 1.000000e+00 : f32
        %broadcast_in_dim3A_179 = vector.broadcast %broadcast_in_dim3A_178 : f32 to vector<16xf32>
        tpu.vector_store_idx %arg6[%select_n3A_177], %broadcast_in_dim3A_179 masked %and3A_170 {add = true} : memref<125000xf32, #tpu.memory_space<vmem>>[vector<16xi32>], vector<16xf32>, vector<16xi1>
        %scan3A_180 = arith.constant 0 : i32
        %scan3A_181 = arith.constant 1 : i32
        %scan3A_182 = arith.addi %scan3A_149, %scan3A_181 : i32
        %mul3A_183 = arith.constant 16 : i32
        %mul3A_184 = arith.muli %scan3A_182, %mul3A_183 : i32
        %get3A_185 = arith.index_cast %mul3A_184 : i32 to index
        %get3A_186 = tpu.vector_load %arg7[%get3A_185] {strides = array<i32>} : memref<2000xi32, #tpu.memory_space<vmem>>, vector<16xi32>,
        %mul3A_187 = arith.constant 16 : i32
        %mul3A_188 = arith.muli %scan3A_182, %mul3A_187 : i32
        %get3A_189 = arith.index_cast %mul3A_188 : i32 to index
        %get3A_190 = tpu.vector_load %arg8[%get3A_189] {strides = array<i32>} : memref<2000xi32, #tpu.memory_space<vmem>>, vector<16xi32>,
        %add3A_191 = arith.addi %mul3A_90, %mul3A_88 : i32
        %sub3A_192 = vector.broadcast %add3A_191 : i32 to vector<16xi32>
        %sub3A_193 = arith.subi %get3A_190, %sub3A_192 : vector<16xi32>
        %sub3A_194 = vector.broadcast %mul3A_90 : i32 to vector<16xi32>
        %sub3A_195 = arith.subi %get3A_186, %sub3A_194 : vector<16xi32>
        %ge3A_196 = arith.constant 0 : i32
        %ge3A_197 = vector.broadcast %ge3A_196 : i32 to vector<16xi32>
        %ge3A_198 = arith.cmpi sge, %sub3A_193, %ge3A_197 : vector<16xi32>
        %lt3A_199 = arith.constant 125 : i32
        %lt3A_200 = vector.broadcast %lt3A_199 : i32 to vector<16xi32>
        %lt3A_201 = arith.cmpi slt, %sub3A_193, %lt3A_200 : vector<16xi32>
        %and3A_202 = arith.andi %ge3A_198, %lt3A_201 : vector<16xi1>
        %mul3A_203 = arith.constant 1000 : i32
        %mul3A_204 = vector.broadcast %mul3A_203 : i32 to vector<16xi32>
        %mul3A_205 = arith.muli %sub3A_193, %mul3A_204 : vector<16xi32>
        %add3A_206 = arith.addi %mul3A_205, %sub3A_195 : vector<16xi32>
        %jit3A_207 = arith.constant 0 : i32
        %broadcast_in_dim3A_208 = vector.broadcast %jit3A_207 : i32 to vector<16xi32>
        %select_n3A_209 = arith.select %and3A_202, %add3A_206, %broadcast_in_dim3A_208 : vector<16xi1>, vector<16xi32>
        %broadcast_in_dim3A_210 = arith.constant 1.000000e+00 : f32
        %broadcast_in_dim3A_211 = vector.broadcast %broadcast_in_dim3A_210 : f32 to vector<16xf32>
        tpu.vector_store_idx %arg6[%select_n3A_209], %broadcast_in_dim3A_211 masked %and3A_202 {add = true} : memref<125000xf32, #tpu.memory_space<vmem>>[vector<16xi32>], vector<16xf32>, vector<16xi1>
        %scan3A_212 = arith.constant 0 : i32
        %scan3A_213 = arith.constant 2 : i32
        %scan3A_214 = arith.addi %scan3A_149, %scan3A_213 : i32
        %mul3A_215 = arith.constant 16 : i32
        %mul3A_216 = arith.muli %scan3A_214, %mul3A_215 : i32
        %get3A_217 = arith.index_cast %mul3A_216 : i32 to index
        %get3A_218 = tpu.vector_load %arg7[%get3A_217] {strides = array<i32>} : memref<2000xi32, #tpu.memory_space<vmem>>, vector<16xi32>,
        %mul3A_219 = arith.constant 16 : i32
        %mul3A_220 = arith.muli %scan3A_214, %mul3A_219 : i32
        %get3A_221 = arith.index_cast %mul3A_220 : i32 to index
        %get3A_222 = tpu.vector_load %arg8[%get3A_221] {strides = array<i32>} : memref<2000xi32, #tpu.memory_space<vmem>>, vector<16xi32>,
        %add3A_223 = arith.addi %mul3A_90, %mul3A_88 : i32
        %sub3A_224 = vector.broadcast %add3A_223 : i32 to vector<16xi32>
        %sub3A_225 = arith.subi %get3A_222, %sub3A_224 : vector<16xi32>
        %sub3A_226 = vector.broadcast %mul3A_90 : i32 to vector<16xi32>
        %sub3A_227 = arith.subi %get3A_218, %sub3A_226 : vector<16xi32>
        %ge3A_228 = arith.constant 0 : i32
        %ge3A_229 = vector.broadcast %ge3A_228 : i32 to vector<16xi32>
        %ge3A_230 = arith.cmpi sge, %sub3A_225, %ge3A_229 : vector<16xi32>
        %lt3A_231 = arith.constant 125 : i32
        %lt3A_232 = vector.broadcast %lt3A_231 : i32 to vector<16xi32>
        %lt3A_233 = arith.cmpi slt, %sub3A_225, %lt3A_232 : vector<16xi32>
        %and3A_234 = arith.andi %ge3A_230, %lt3A_233 : vector<16xi1>
        %mul3A_235 = arith.constant 1000 : i32
        %mul3A_236 = vector.broadcast %mul3A_235 : i32 to vector<16xi32>
        %mul3A_237 = arith.muli %sub3A_225, %mul3A_236 : vector<16xi32>
        %add3A_238 = arith.addi %mul3A_237, %sub3A_227 : vector<16xi32>
        %jit3A_239 = arith.constant 0 : i32
        %broadcast_in_dim3A_240 = vector.broadcast %jit3A_239 : i32 to vector<16xi32>
        %select_n3A_241 = arith.select %and3A_234, %add3A_238, %broadcast_in_dim3A_240 : vector<16xi1>, vector<16xi32>
        %broadcast_in_dim3A_242 = arith.constant 1.000000e+00 : f32
        %broadcast_in_dim3A_243 = vector.broadcast %broadcast_in_dim3A_242 : f32 to vector<16xf32>
        tpu.vector_store_idx %arg6[%select_n3A_241], %broadcast_in_dim3A_243 masked %and3A_234 {add = true} : memref<125000xf32, #tpu.memory_space<vmem>>[vector<16xi32>], vector<16xf32>, vector<16xi1>
        %scan3A_244 = arith.constant 0 : i32
        %scan3A_245 = arith.constant 3 : i32
        %scan3A_246 = arith.addi %scan3A_149, %scan3A_245 : i32
        %mul3A_247 = arith.constant 16 : i32
        %mul3A_248 = arith.muli %scan3A_246, %mul3A_247 : i32
        %get3A_249 = arith.index_cast %mul3A_248 : i32 to index
        %get3A_250 = tpu.vector_load %arg7[%get3A_249] {strides = array<i32>} : memref<2000xi32, #tpu.memory_space<vmem>>, vector<16xi32>,
        %mul3A_251 = arith.constant 16 : i32
        %mul3A_252 = arith.muli %scan3A_246, %mul3A_251 : i32
        %get3A_253 = arith.index_cast %mul3A_252 : i32 to index
        %get3A_254 = tpu.vector_load %arg8[%get3A_253] {strides = array<i32>} : memref<2000xi32, #tpu.memory_space<vmem>>, vector<16xi32>,
        %add3A_255 = arith.addi %mul3A_90, %mul3A_88 : i32
        %sub3A_256 = vector.broadcast %add3A_255 : i32 to vector<16xi32>
        %sub3A_257 = arith.subi %get3A_254, %sub3A_256 : vector<16xi32>
        %sub3A_258 = vector.broadcast %mul3A_90 : i32 to vector<16xi32>
        %sub3A_259 = arith.subi %get3A_250, %sub3A_258 : vector<16xi32>
        %ge3A_260 = arith.constant 0 : i32
        %ge3A_261 = vector.broadcast %ge3A_260 : i32 to vector<16xi32>
        %ge3A_262 = arith.cmpi sge, %sub3A_257, %ge3A_261 : vector<16xi32>
        %lt3A_263 = arith.constant 125 : i32
        %lt3A_264 = vector.broadcast %lt3A_263 : i32 to vector<16xi32>
        %lt3A_265 = arith.cmpi slt, %sub3A_257, %lt3A_264 : vector<16xi32>
        %and3A_266 = arith.andi %ge3A_262, %lt3A_265 : vector<16xi1>
        %mul3A_267 = arith.constant 1000 : i32
        %mul3A_268 = vector.broadcast %mul3A_267 : i32 to vector<16xi32>
        %mul3A_269 = arith.muli %sub3A_257, %mul3A_268 : vector<16xi32>
        %add3A_270 = arith.addi %mul3A_269, %sub3A_259 : vector<16xi32>
        %jit3A_271 = arith.constant 0 : i32
        %broadcast_in_dim3A_272 = vector.broadcast %jit3A_271 : i32 to vector<16xi32>
        %select_n3A_273 = arith.select %and3A_266, %add3A_270, %broadcast_in_dim3A_272 : vector<16xi1>, vector<16xi32>
        %broadcast_in_dim3A_274 = arith.constant 1.000000e+00 : f32
        %broadcast_in_dim3A_275 = vector.broadcast %broadcast_in_dim3A_274 : f32 to vector<16xf32>
        tpu.vector_store_idx %arg6[%select_n3A_273], %broadcast_in_dim3A_275 masked %and3A_266 {add = true} : memref<125000xf32, #tpu.memory_space<vmem>>[vector<16xi32>], vector<16xf32>, vector<16xi1>
        %scan3A_276 = arith.constant 0 : i32
        scf.yield %scan3A_276 : i32
      }
      %scan3A_118 = arith.constant 124 : i32
      %scan3A_119 = arith.addi %scan3A_113, %scan3A_118 : i32
      %mul3A_120 = arith.constant 16 : i32
      %mul3A_121 = arith.muli %scan3A_119, %mul3A_120 : i32
      %get3A = arith.index_cast %mul3A_121 : i32 to index
      %get3A_122 = tpu.vector_load %arg7[%get3A] {strides = array<i32>} : memref<2000xi32, #tpu.memory_space<vmem>>, vector<16xi32>,
      %mul3A_123 = arith.constant 16 : i32
      %mul3A_124 = arith.muli %scan3A_119, %mul3A_123 : i32
      %get3A_125 = arith.index_cast %mul3A_124 : i32 to index
      %get3A_126 = tpu.vector_load %arg8[%get3A_125] {strides = array<i32>} : memref<2000xi32, #tpu.memory_space<vmem>>, vector<16xi32>,
      %add3A_127 = arith.addi %mul3A_90, %mul3A_88 : i32
      %sub3A_128 = vector.broadcast %add3A_127 : i32 to vector<16xi32>
      %sub3A_129 = arith.subi %get3A_126, %sub3A_128 : vector<16xi32>
      %sub3A_130 = vector.broadcast %mul3A_90 : i32 to vector<16xi32>
      %sub3A_131 = arith.subi %get3A_122, %sub3A_130 : vector<16xi32>
      %ge3A = arith.constant 0 : i32
      %ge3A_132 = vector.broadcast %ge3A : i32 to vector<16xi32>
      %ge3A_133 = arith.cmpi sge, %sub3A_129, %ge3A_132 : vector<16xi32>
      %lt3A_134 = arith.constant 125 : i32
      %lt3A_135 = vector.broadcast %lt3A_134 : i32 to vector<16xi32>
      %lt3A_136 = arith.cmpi slt, %sub3A_129, %lt3A_135 : vector<16xi32>
      %and3A_137 = arith.andi %ge3A_133, %lt3A_136 : vector<16xi1>
      %mul3A_138 = arith.constant 1000 : i32
      %mul3A_139 = vector.broadcast %mul3A_138 : i32 to vector<16xi32>
      %mul3A_140 = arith.muli %sub3A_129, %mul3A_139 : vector<16xi32>
      %add3A_141 = arith.addi %mul3A_140, %sub3A_131 : vector<16xi32>
      %jit3A_142 = arith.constant 0 : i32
      %broadcast_in_dim3A = vector.broadcast %jit3A_142 : i32 to vector<16xi32>
      %select_n3A_143 = arith.select %and3A_137, %add3A_141, %broadcast_in_dim3A : vector<16xi1>, vector<16xi32>
      %broadcast_in_dim3A_144 = arith.constant 1.000000e+00 : f32
      %broadcast_in_dim3A_145 = vector.broadcast %broadcast_in_dim3A_144 : f32 to vector<16xf32>
      tpu.vector_store_idx %arg6[%select_n3A_143], %broadcast_in_dim3A_145 masked %and3A_137 {add = true} : memref<125000xf32, #tpu.memory_space<vmem>>[vector<16xi32>], vector<16xf32>, vector<16xi1>
      %scan3A_146 = arith.constant 0 : i32
      %scan3A_147 = arith.constant 125 : i32
      %scan3A_148 = arith.constant 0 : i32
      scf.yield %scan3A_148 : i32
    }
    %scan3A_97 = arith.constant 16 : i32
    %mul3A_98 = arith.constant 125000 : i32
    %mul3A_99 = arith.muli %add3A_46, %mul3A_98 : i32
    "tpu.region"() ({
      %run_scoped3A = tpu.sem_alloc : memref<!tpu.dma_semaphore, #tpu.memory_space<semaphore_mem>>
      %dma_start3A = tpu.memref_slice %arg5[%mul3A_99] : memref<10000000xf32, #tpu.memory_space<hbm>> -> memref<125000xf32, #tpu.memory_space<hbm>>
      %dma_start3A_105 = tpu.memref_slice %arg5[%mul3A_99] : memref<10000000xf32, #tpu.memory_space<hbm>> -> memref<125000xf32, #tpu.memory_space<hbm>>
      tpu.enqueue_dma source(%arg6 : memref<125000xf32, #tpu.memory_space<vmem>>) target(%dma_start3A_105 : memref<125000xf32, #tpu.memory_space<hbm>>) target_semaphore(%run_scoped3A : memref<!tpu.dma_semaphore, #tpu.memory_space<semaphore_mem>>)
      %dma_wait3A = tpu.memref_slice %arg5[%mul3A_99] : memref<10000000xf32, #tpu.memory_space<hbm>> -> memref<125000xf32, #tpu.memory_space<hbm>>
      %dma_wait3A_106 = tpu.memref_slice %arg5[%mul3A_99] : memref<10000000xf32, #tpu.memory_space<hbm>> -> memref<125000xf32, #tpu.memory_space<hbm>>
      tpu.wait_dma2 semaphore(%run_scoped3A : memref<!tpu.dma_semaphore, #tpu.memory_space<semaphore_mem>>) src(%arg6 : memref<125000xf32, #tpu.memory_space<vmem>>) dst(%dma_wait3A_106 : memref<125000xf32, #tpu.memory_space<hbm>>)
      tpu.yield
    }) : () -> ()
    %add3A_100 = arith.constant 64 : i32
    %add3A_101 = arith.addi %add3A, %add3A_100 : i32
    %lt3A_102 = arith.constant 80 : i32
    %lt3A_103 = arith.cmpi slt, %add3A_101, %lt3A_102 : i32
    %convert_element_type3A = arith.extui %lt3A_103 : i1 to i32
    %cond3A = arith.constant 0 : i32
    %cond3A_104 = arith.cmpi ne, %convert_element_type3A, %cond3A : i32
    scf.if %cond3A_104 {
      %jit3A_105 = arith.constant 8 : i32
      %div3A_106 = arith.divsi %add3A_101, %jit3A_105 : i32
      %sign3A_107 = arith.constant 0 : i32
      %sign3A_108 = arith.cmpi sgt, %add3A_101, %sign3A_107 : i32
      %sign3A_109 = arith.extui %sign3A_108 : i1 to i32
      %sign3A_110 = arith.constant 0 : i32
      %sign3A_111 = arith.cmpi slt, %add3A_101, %sign3A_110 : i32
      %sign3A_112 = arith.extui %sign3A_111 : i1 to i32
      %sign3A_113 = arith.subi %sign3A_109, %sign3A_112 : i32
      %sign3A_114 = arith.constant 0 : i32
      %sign3A_115 = arith.cmpi sgt, %jit3A_105, %sign3A_114 : i32
      %sign3A_116 = arith.extui %sign3A_115 : i1 to i32
      %sign3A_117 = arith.constant 0 : i32
      %sign3A_118 = arith.cmpi slt, %jit3A_105, %sign3A_117 : i32
      %sign3A_119 = arith.extui %sign3A_118 : i1 to i32
      %sign3A_120 = arith.subi %sign3A_116, %sign3A_119 : i32
      %ne3A_121 = arith.cmpi ne, %sign3A_113, %sign3A_120 : i32
      %rem3A_122 = arith.remsi %add3A_101, %jit3A_105 : i32
      %ne3A_123 = arith.constant 0 : i32
      %ne3A_124 = arith.cmpi ne, %rem3A_122, %ne3A_123 : i32
      %and3A_125 = arith.andi %ne3A_121, %ne3A_124 : i1
      %sub3A_126 = arith.constant 1 : i32
      %sub3A_127 = arith.subi %div3A_106, %sub3A_126 : i32
      %select_n3A_128 = arith.select %and3A_125, %sub3A_127, %div3A_106 : i32
      %jit3A_129 = arith.constant 8 : i32
      %eq3A_130 = arith.constant 0 : i32
      %eq3A_131 = arith.cmpi eq, %jit3A_129, %eq3A_130 : i32
      %jit3A_132 = arith.constant 1 : i32
      %select_n3A_133 = arith.select %eq3A_131, %jit3A_132, %jit3A_129 : i32
      %rem3A_134 = arith.remsi %add3A_101, %select_n3A_133 : i32
      %ne3A_135 = arith.constant 0 : i32
      %ne3A_136 = arith.cmpi ne, %rem3A_134, %ne3A_135 : i32
      %lt3A_137 = arith.constant 0 : i32
      %lt3A_138 = arith.cmpi slt, %rem3A_134, %lt3A_137 : i32
      %lt3A_139 = arith.constant 0 : i32
      %lt3A_140 = arith.cmpi slt, %select_n3A_133, %lt3A_139 : i32
      %ne3A_141 = arith.xori %lt3A_138, %lt3A_140 : i1
      %and3A_142 = arith.andi %ne3A_141, %ne3A_136 : i1
      %add3A_143 = arith.addi %rem3A_134, %select_n3A_133 : i32
      %select_n3A_144 = arith.select %and3A_142, %add3A_143, %rem3A_134 : i32
      %mul3A_145 = arith.constant 125 : i32
      %mul3A_146 = arith.muli %select_n3A_144, %mul3A_145 : i32
      "tpu.region"() ({
        %run_scoped3A = tpu.sem_alloc : memref<!tpu.dma_semaphore, #tpu.memory_space<semaphore_mem>>
        tpu.enqueue_dma source(%arg4 : memref<125000xf32, #tpu.memory_space<hbm>>) target(%arg6 : memref<125000xf32, #tpu.memory_space<vmem>>) target_semaphore(%run_scoped3A : memref<!tpu.dma_semaphore, #tpu.memory_space<semaphore_mem>>)
        tpu.wait_dma2 semaphore(%run_scoped3A : memref<!tpu.dma_semaphore, #tpu.memory_space<semaphore_mem>>) src(%arg4 : memref<125000xf32, #tpu.memory_space<hbm>>) dst(%arg6 : memref<125000xf32, #tpu.memory_space<vmem>>)
        tpu.yield
      }) : () -> ()
      %mul3A_147 = arith.constant 1000 : i32
      %mul3A_148 = arith.muli %select_n3A_128, %mul3A_147 : i32
      %scan3A_149 = arith.constant 0 : i32
      %scan3A_150 = arith.constant 0 : i32
      %scan3A_151 = arith.constant 16 : i32
      %scan3A_152 = arith.addi %scan3A_150, %scan3A_151 : i32
      %scan3A_153 = arith.constant 1 : i32
      %scan3A_154 = scf.for %scan3A_158 = %scan3A_150 to %scan3A_152 step %scan3A_153 iter_args(%scan3A_159 = %scan3A_149) -> (i32)  : i32 {
        %mul3A_160 = arith.constant 32000 : i32
        %mul3A_161 = arith.muli %select_n3A_128, %mul3A_160 : i32
        %mul3A_162 = arith.constant 2000 : i32
        %mul3A_163 = arith.muli %scan3A_158, %mul3A_162 : i32
        %add3A_164 = arith.addi %mul3A_161, %mul3A_163 : i32
        %multiple_of3A = tpu.assume_multiple %add3A_164, 2000 : i32
        "tpu.region"() ({
          %run_scoped3A = tpu.sem_alloc : memref<!tpu.dma_semaphore, #tpu.memory_space<semaphore_mem>>
          %dma_start3A = tpu.memref_slice %arg2[%multiple_of3A] : memref<320000xi32, #tpu.memory_space<hbm>> -> memref<2000xi32, #tpu.memory_space<hbm>>
          %dma_start3A_202 = tpu.memref_slice %arg2[%multiple_of3A] : memref<320000xi32, #tpu.memory_space<hbm>> -> memref<2000xi32, #tpu.memory_space<hbm>>
          tpu.enqueue_dma source(%dma_start3A_202 : memref<2000xi32, #tpu.memory_space<hbm>>) target(%arg7 : memref<2000xi32, #tpu.memory_space<vmem>>) target_semaphore(%run_scoped3A : memref<!tpu.dma_semaphore, #tpu.memory_space<semaphore_mem>>)
          %dma_wait3A = tpu.memref_slice %arg2[%multiple_of3A] : memref<320000xi32, #tpu.memory_space<hbm>> -> memref<2000xi32, #tpu.memory_space<hbm>>
          %dma_wait3A_203 = tpu.memref_slice %arg2[%multiple_of3A] : memref<320000xi32, #tpu.memory_space<hbm>> -> memref<2000xi32, #tpu.memory_space<hbm>>
          tpu.wait_dma2 semaphore(%run_scoped3A : memref<!tpu.dma_semaphore, #tpu.memory_space<semaphore_mem>>) src(%dma_wait3A_203 : memref<2000xi32, #tpu.memory_space<hbm>>) dst(%arg7 : memref<2000xi32, #tpu.memory_space<vmem>>)
          tpu.yield
        }) : () -> ()
        "tpu.region"() ({
          %run_scoped3A = tpu.sem_alloc : memref<!tpu.dma_semaphore, #tpu.memory_space<semaphore_mem>>
          %dma_start3A = tpu.memref_slice %arg3[%multiple_of3A] : memref<320000xi32, #tpu.memory_space<hbm>> -> memref<2000xi32, #tpu.memory_space<hbm>>
          %dma_start3A_202 = tpu.memref_slice %arg3[%multiple_of3A] : memref<320000xi32, #tpu.memory_space<hbm>> -> memref<2000xi32, #tpu.memory_space<hbm>>
          tpu.enqueue_dma source(%dma_start3A_202 : memref<2000xi32, #tpu.memory_space<hbm>>) target(%arg8 : memref<2000xi32, #tpu.memory_space<vmem>>) target_semaphore(%run_scoped3A : memref<!tpu.dma_semaphore, #tpu.memory_space<semaphore_mem>>)
          %dma_wait3A = tpu.memref_slice %arg3[%multiple_of3A] : memref<320000xi32, #tpu.memory_space<hbm>> -> memref<2000xi32, #tpu.memory_space<hbm>>
          %dma_wait3A_203 = tpu.memref_slice %arg3[%multiple_of3A] : memref<320000xi32, #tpu.memory_space<hbm>> -> memref<2000xi32, #tpu.memory_space<hbm>>
          tpu.wait_dma2 semaphore(%run_scoped3A : memref<!tpu.dma_semaphore, #tpu.memory_space<semaphore_mem>>) src(%dma_wait3A_203 : memref<2000xi32, #tpu.memory_space<hbm>>) dst(%arg8 : memref<2000xi32, #tpu.memory_space<vmem>>)
          tpu.yield
        }) : () -> ()
        %scan3A_165 = arith.constant 0 : i32
        %scan3A_166 = arith.constant 0 : i32
        %scan3A_167 = arith.constant 124 : i32
        %scan3A_168 = arith.addi %scan3A_166, %scan3A_167 : i32
        %scan3A_169 = arith.constant 4 : i32
        %scan3A_170 = scf.for %scan3A_202 = %scan3A_166 to %scan3A_168 step %scan3A_169 iter_args(%scan3A_203 = %scan3A_165) -> (i32)  : i32 {
          %mul3A_204 = arith.constant 16 : i32
          %mul3A_205 = arith.muli %scan3A_202, %mul3A_204 : i32
          %get3A_206 = arith.index_cast %mul3A_205 : i32 to index
          %get3A_207 = tpu.vector_load %arg7[%get3A_206] {strides = array<i32>} : memref<2000xi32, #tpu.memory_space<vmem>>, vector<16xi32>,
          %mul3A_208 = arith.constant 16 : i32
          %mul3A_209 = arith.muli %scan3A_202, %mul3A_208 : i32
          %get3A_210 = arith.index_cast %mul3A_209 : i32 to index
          %get3A_211 = tpu.vector_load %arg8[%get3A_210] {strides = array<i32>} : memref<2000xi32, #tpu.memory_space<vmem>>, vector<16xi32>,
          %add3A_212 = arith.addi %mul3A_148, %mul3A_146 : i32
          %sub3A_213 = vector.broadcast %add3A_212 : i32 to vector<16xi32>
          %sub3A_214 = arith.subi %get3A_211, %sub3A_213 : vector<16xi32>
          %sub3A_215 = vector.broadcast %mul3A_148 : i32 to vector<16xi32>
          %sub3A_216 = arith.subi %get3A_207, %sub3A_215 : vector<16xi32>
          %ge3A_217 = arith.constant 0 : i32
          %ge3A_218 = vector.broadcast %ge3A_217 : i32 to vector<16xi32>
          %ge3A_219 = arith.cmpi sge, %sub3A_214, %ge3A_218 : vector<16xi32>
          %lt3A_220 = arith.constant 125 : i32
          %lt3A_221 = vector.broadcast %lt3A_220 : i32 to vector<16xi32>
          %lt3A_222 = arith.cmpi slt, %sub3A_214, %lt3A_221 : vector<16xi32>
          %and3A_223 = arith.andi %ge3A_219, %lt3A_222 : vector<16xi1>
          %mul3A_224 = arith.constant 1000 : i32
          %mul3A_225 = vector.broadcast %mul3A_224 : i32 to vector<16xi32>
          %mul3A_226 = arith.muli %sub3A_214, %mul3A_225 : vector<16xi32>
          %add3A_227 = arith.addi %mul3A_226, %sub3A_216 : vector<16xi32>
          %jit3A_228 = arith.constant 0 : i32
          %broadcast_in_dim3A_229 = vector.broadcast %jit3A_228 : i32 to vector<16xi32>
          %select_n3A_230 = arith.select %and3A_223, %add3A_227, %broadcast_in_dim3A_229 : vector<16xi1>, vector<16xi32>
          %broadcast_in_dim3A_231 = arith.constant 1.000000e+00 : f32
          %broadcast_in_dim3A_232 = vector.broadcast %broadcast_in_dim3A_231 : f32 to vector<16xf32>
          tpu.vector_store_idx %arg6[%select_n3A_230], %broadcast_in_dim3A_232 masked %and3A_223 {add = true} : memref<125000xf32, #tpu.memory_space<vmem>>[vector<16xi32>], vector<16xf32>, vector<16xi1>
          %scan3A_233 = arith.constant 0 : i32
          %scan3A_234 = arith.constant 1 : i32
          %scan3A_235 = arith.addi %scan3A_202, %scan3A_234 : i32
          %mul3A_236 = arith.constant 16 : i32
          %mul3A_237 = arith.muli %scan3A_235, %mul3A_236 : i32
          %get3A_238 = arith.index_cast %mul3A_237 : i32 to index
          %get3A_239 = tpu.vector_load %arg7[%get3A_238] {strides = array<i32>} : memref<2000xi32, #tpu.memory_space<vmem>>, vector<16xi32>,
          %mul3A_240 = arith.constant 16 : i32
          %mul3A_241 = arith.muli %scan3A_235, %mul3A_240 : i32
          %get3A_242 = arith.index_cast %mul3A_241 : i32 to index
          %get3A_243 = tpu.vector_load %arg8[%get3A_242] {strides = array<i32>} : memref<2000xi32, #tpu.memory_space<vmem>>, vector<16xi32>,
          %add3A_244 = arith.addi %mul3A_148, %mul3A_146 : i32
          %sub3A_245 = vector.broadcast %add3A_244 : i32 to vector<16xi32>
          %sub3A_246 = arith.subi %get3A_243, %sub3A_245 : vector<16xi32>
          %sub3A_247 = vector.broadcast %mul3A_148 : i32 to vector<16xi32>
          %sub3A_248 = arith.subi %get3A_239, %sub3A_247 : vector<16xi32>
          %ge3A_249 = arith.constant 0 : i32
          %ge3A_250 = vector.broadcast %ge3A_249 : i32 to vector<16xi32>
          %ge3A_251 = arith.cmpi sge, %sub3A_246, %ge3A_250 : vector<16xi32>
          %lt3A_252 = arith.constant 125 : i32
          %lt3A_253 = vector.broadcast %lt3A_252 : i32 to vector<16xi32>
          %lt3A_254 = arith.cmpi slt, %sub3A_246, %lt3A_253 : vector<16xi32>
          %and3A_255 = arith.andi %ge3A_251, %lt3A_254 : vector<16xi1>
          %mul3A_256 = arith.constant 1000 : i32
          %mul3A_257 = vector.broadcast %mul3A_256 : i32 to vector<16xi32>
          %mul3A_258 = arith.muli %sub3A_246, %mul3A_257 : vector<16xi32>
          %add3A_259 = arith.addi %mul3A_258, %sub3A_248 : vector<16xi32>
          %jit3A_260 = arith.constant 0 : i32
          %broadcast_in_dim3A_261 = vector.broadcast %jit3A_260 : i32 to vector<16xi32>
          %select_n3A_262 = arith.select %and3A_255, %add3A_259, %broadcast_in_dim3A_261 : vector<16xi1>, vector<16xi32>
          %broadcast_in_dim3A_263 = arith.constant 1.000000e+00 : f32
          %broadcast_in_dim3A_264 = vector.broadcast %broadcast_in_dim3A_263 : f32 to vector<16xf32>
          tpu.vector_store_idx %arg6[%select_n3A_262], %broadcast_in_dim3A_264 masked %and3A_255 {add = true} : memref<125000xf32, #tpu.memory_space<vmem>>[vector<16xi32>], vector<16xf32>, vector<16xi1>
          %scan3A_265 = arith.constant 0 : i32
          %scan3A_266 = arith.constant 2 : i32
          %scan3A_267 = arith.addi %scan3A_202, %scan3A_266 : i32
          %mul3A_268 = arith.constant 16 : i32
          %mul3A_269 = arith.muli %scan3A_267, %mul3A_268 : i32
          %get3A_270 = arith.index_cast %mul3A_269 : i32 to index
          %get3A_271 = tpu.vector_load %arg7[%get3A_270] {strides = array<i32>} : memref<2000xi32, #tpu.memory_space<vmem>>, vector<16xi32>,
          %mul3A_272 = arith.constant 16 : i32
          %mul3A_273 = arith.muli %scan3A_267, %mul3A_272 : i32
          %get3A_274 = arith.index_cast %mul3A_273 : i32 to index
          %get3A_275 = tpu.vector_load %arg8[%get3A_274] {strides = array<i32>} : memref<2000xi32, #tpu.memory_space<vmem>>, vector<16xi32>,
          %add3A_276 = arith.addi %mul3A_148, %mul3A_146 : i32
          %sub3A_277 = vector.broadcast %add3A_276 : i32 to vector<16xi32>
          %sub3A_278 = arith.subi %get3A_275, %sub3A_277 : vector<16xi32>
          %sub3A_279 = vector.broadcast %mul3A_148 : i32 to vector<16xi32>
          %sub3A_280 = arith.subi %get3A_271, %sub3A_279 : vector<16xi32>
          %ge3A_281 = arith.constant 0 : i32
          %ge3A_282 = vector.broadcast %ge3A_281 : i32 to vector<16xi32>
          %ge3A_283 = arith.cmpi sge, %sub3A_278, %ge3A_282 : vector<16xi32>
          %lt3A_284 = arith.constant 125 : i32
          %lt3A_285 = vector.broadcast %lt3A_284 : i32 to vector<16xi32>
          %lt3A_286 = arith.cmpi slt, %sub3A_278, %lt3A_285 : vector<16xi32>
          %and3A_287 = arith.andi %ge3A_283, %lt3A_286 : vector<16xi1>
          %mul3A_288 = arith.constant 1000 : i32
          %mul3A_289 = vector.broadcast %mul3A_288 : i32 to vector<16xi32>
          %mul3A_290 = arith.muli %sub3A_278, %mul3A_289 : vector<16xi32>
          %add3A_291 = arith.addi %mul3A_290, %sub3A_280 : vector<16xi32>
          %jit3A_292 = arith.constant 0 : i32
          %broadcast_in_dim3A_293 = vector.broadcast %jit3A_292 : i32 to vector<16xi32>
          %select_n3A_294 = arith.select %and3A_287, %add3A_291, %broadcast_in_dim3A_293 : vector<16xi1>, vector<16xi32>
          %broadcast_in_dim3A_295 = arith.constant 1.000000e+00 : f32
          %broadcast_in_dim3A_296 = vector.broadcast %broadcast_in_dim3A_295 : f32 to vector<16xf32>
          tpu.vector_store_idx %arg6[%select_n3A_294], %broadcast_in_dim3A_296 masked %and3A_287 {add = true} : memref<125000xf32, #tpu.memory_space<vmem>>[vector<16xi32>], vector<16xf32>, vector<16xi1>
          %scan3A_297 = arith.constant 0 : i32
          %scan3A_298 = arith.constant 3 : i32
          %scan3A_299 = arith.addi %scan3A_202, %scan3A_298 : i32
          %mul3A_300 = arith.constant 16 : i32
          %mul3A_301 = arith.muli %scan3A_299, %mul3A_300 : i32
          %get3A_302 = arith.index_cast %mul3A_301 : i32 to index
          %get3A_303 = tpu.vector_load %arg7[%get3A_302] {strides = array<i32>} : memref<2000xi32, #tpu.memory_space<vmem>>, vector<16xi32>,
          %mul3A_304 = arith.constant 16 : i32
          %mul3A_305 = arith.muli %scan3A_299, %mul3A_304 : i32
          %get3A_306 = arith.index_cast %mul3A_305 : i32 to index
          %get3A_307 = tpu.vector_load %arg8[%get3A_306] {strides = array<i32>} : memref<2000xi32, #tpu.memory_space<vmem>>, vector<16xi32>,
          %add3A_308 = arith.addi %mul3A_148, %mul3A_146 : i32
          %sub3A_309 = vector.broadcast %add3A_308 : i32 to vector<16xi32>
          %sub3A_310 = arith.subi %get3A_307, %sub3A_309 : vector<16xi32>
          %sub3A_311 = vector.broadcast %mul3A_148 : i32 to vector<16xi32>
          %sub3A_312 = arith.subi %get3A_303, %sub3A_311 : vector<16xi32>
          %ge3A_313 = arith.constant 0 : i32
          %ge3A_314 = vector.broadcast %ge3A_313 : i32 to vector<16xi32>
          %ge3A_315 = arith.cmpi sge, %sub3A_310, %ge3A_314 : vector<16xi32>
          %lt3A_316 = arith.constant 125 : i32
          %lt3A_317 = vector.broadcast %lt3A_316 : i32 to vector<16xi32>
          %lt3A_318 = arith.cmpi slt, %sub3A_310, %lt3A_317 : vector<16xi32>
          %and3A_319 = arith.andi %ge3A_315, %lt3A_318 : vector<16xi1>
          %mul3A_320 = arith.constant 1000 : i32
          %mul3A_321 = vector.broadcast %mul3A_320 : i32 to vector<16xi32>
          %mul3A_322 = arith.muli %sub3A_310, %mul3A_321 : vector<16xi32>
          %add3A_323 = arith.addi %mul3A_322, %sub3A_312 : vector<16xi32>
          %jit3A_324 = arith.constant 0 : i32
          %broadcast_in_dim3A_325 = vector.broadcast %jit3A_324 : i32 to vector<16xi32>
          %select_n3A_326 = arith.select %and3A_319, %add3A_323, %broadcast_in_dim3A_325 : vector<16xi1>, vector<16xi32>
          %broadcast_in_dim3A_327 = arith.constant 1.000000e+00 : f32
          %broadcast_in_dim3A_328 = vector.broadcast %broadcast_in_dim3A_327 : f32 to vector<16xf32>
          tpu.vector_store_idx %arg6[%select_n3A_326], %broadcast_in_dim3A_328 masked %and3A_319 {add = true} : memref<125000xf32, #tpu.memory_space<vmem>>[vector<16xi32>], vector<16xf32>, vector<16xi1>
          %scan3A_329 = arith.constant 0 : i32
          scf.yield %scan3A_329 : i32
        }
        %scan3A_171 = arith.constant 124 : i32
        %scan3A_172 = arith.addi %scan3A_166, %scan3A_171 : i32
        %mul3A_173 = arith.constant 16 : i32
        %mul3A_174 = arith.muli %scan3A_172, %mul3A_173 : i32
        %get3A = arith.index_cast %mul3A_174 : i32 to index
        %get3A_175 = tpu.vector_load %arg7[%get3A] {strides = array<i32>} : memref<2000xi32, #tpu.memory_space<vmem>>, vector<16xi32>,
        %mul3A_176 = arith.constant 16 : i32
        %mul3A_177 = arith.muli %scan3A_172, %mul3A_176 : i32
        %get3A_178 = arith.index_cast %mul3A_177 : i32 to index
        %get3A_179 = tpu.vector_load %arg8[%get3A_178] {strides = array<i32>} : memref<2000xi32, #tpu.memory_space<vmem>>, vector<16xi32>,
        %add3A_180 = arith.addi %mul3A_148, %mul3A_146 : i32
        %sub3A_181 = vector.broadcast %add3A_180 : i32 to vector<16xi32>
        %sub3A_182 = arith.subi %get3A_179, %sub3A_181 : vector<16xi32>
        %sub3A_183 = vector.broadcast %mul3A_148 : i32 to vector<16xi32>
        %sub3A_184 = arith.subi %get3A_175, %sub3A_183 : vector<16xi32>
        %ge3A = arith.constant 0 : i32
        %ge3A_185 = vector.broadcast %ge3A : i32 to vector<16xi32>
        %ge3A_186 = arith.cmpi sge, %sub3A_182, %ge3A_185 : vector<16xi32>
        %lt3A_187 = arith.constant 125 : i32
        %lt3A_188 = vector.broadcast %lt3A_187 : i32 to vector<16xi32>
        %lt3A_189 = arith.cmpi slt, %sub3A_182, %lt3A_188 : vector<16xi32>
        %and3A_190 = arith.andi %ge3A_186, %lt3A_189 : vector<16xi1>
        %mul3A_191 = arith.constant 1000 : i32
        %mul3A_192 = vector.broadcast %mul3A_191 : i32 to vector<16xi32>
        %mul3A_193 = arith.muli %sub3A_182, %mul3A_192 : vector<16xi32>
        %add3A_194 = arith.addi %mul3A_193, %sub3A_184 : vector<16xi32>
        %jit3A_195 = arith.constant 0 : i32
        %broadcast_in_dim3A = vector.broadcast %jit3A_195 : i32 to vector<16xi32>
        %select_n3A_196 = arith.select %and3A_190, %add3A_194, %broadcast_in_dim3A : vector<16xi1>, vector<16xi32>
        %broadcast_in_dim3A_197 = arith.constant 1.000000e+00 : f32
        %broadcast_in_dim3A_198 = vector.broadcast %broadcast_in_dim3A_197 : f32 to vector<16xf32>
        tpu.vector_store_idx %arg6[%select_n3A_196], %broadcast_in_dim3A_198 masked %and3A_190 {add = true} : memref<125000xf32, #tpu.memory_space<vmem>>[vector<16xi32>], vector<16xf32>, vector<16xi1>
        %scan3A_199 = arith.constant 0 : i32
        %scan3A_200 = arith.constant 125 : i32
        %scan3A_201 = arith.constant 0 : i32
        scf.yield %scan3A_201 : i32
      }
      %scan3A_155 = arith.constant 16 : i32
      %mul3A_156 = arith.constant 125000 : i32
      %mul3A_157 = arith.muli %add3A_101, %mul3A_156 : i32
      "tpu.region"() ({
        %run_scoped3A = tpu.sem_alloc : memref<!tpu.dma_semaphore, #tpu.memory_space<semaphore_mem>>
        %dma_start3A = tpu.memref_slice %arg5[%mul3A_157] : memref<10000000xf32, #tpu.memory_space<hbm>> -> memref<125000xf32, #tpu.memory_space<hbm>>
        %dma_start3A_158 = tpu.memref_slice %arg5[%mul3A_157] : memref<10000000xf32, #tpu.memory_space<hbm>> -> memref<125000xf32, #tpu.memory_space<hbm>>
        tpu.enqueue_dma source(%arg6 : memref<125000xf32, #tpu.memory_space<vmem>>) target(%dma_start3A_158 : memref<125000xf32, #tpu.memory_space<hbm>>) target_semaphore(%run_scoped3A : memref<!tpu.dma_semaphore, #tpu.memory_space<semaphore_mem>>)
        %dma_wait3A = tpu.memref_slice %arg5[%mul3A_157] : memref<10000000xf32, #tpu.memory_space<hbm>> -> memref<125000xf32, #tpu.memory_space<hbm>>
        %dma_wait3A_159 = tpu.memref_slice %arg5[%mul3A_157] : memref<10000000xf32, #tpu.memory_space<hbm>> -> memref<125000xf32, #tpu.memory_space<hbm>>
        tpu.wait_dma2 semaphore(%run_scoped3A : memref<!tpu.dma_semaphore, #tpu.memory_space<semaphore_mem>>) src(%arg6 : memref<125000xf32, #tpu.memory_space<vmem>>) dst(%dma_wait3A_159 : memref<125000xf32, #tpu.memory_space<hbm>>)
        tpu.yield
      }) : () -> ()
    } else {
    }
    return
  }
}

module attributes {stable_mosaic.version = 14 : i64} {
  func.func @_pipeline_body(%arg0: i32, %arg1: memref<1x1000x1000xf32, #tpu.memory_space<vmem>>, %arg2: memref<1x1000x128xf32, #tpu.memory_space<vmem>>, %arg3: memref<128x128xf32, #tpu.memory_space<vmem>>, %arg4: memref<1x128xf32, #tpu.memory_space<vmem>>, %arg5: memref<128x128xf32, #tpu.memory_space<vmem>>, %arg6: memref<1x128xf32, #tpu.memory_space<vmem>>, %arg7: memref<128x128xf32, #tpu.memory_space<vmem>>, %arg8: memref<1x128xf32, #tpu.memory_space<vmem>>, %arg9: memref<128x1xf32, #tpu.memory_space<vmem>>, %arg10: memref<128x1xf32, #tpu.memory_space<vmem>>, %arg11: memref<128x1xf32, #tpu.memory_space<vmem>>, %arg12: memref<1x1xf32, #tpu.memory_space<vmem>>, %arg13: memref<128x128xf32, #tpu.memory_space<vmem>>, %arg14: memref<128x128xf32, #tpu.memory_space<vmem>>, %arg15: memref<128x128xf32, #tpu.memory_space<vmem>>, %arg16: memref<1x128xf32, #tpu.memory_space<vmem>>, %arg17: memref<128x128xf32, #tpu.memory_space<vmem>>, %arg18: memref<128x128xf32, #tpu.memory_space<vmem>>, %arg19: memref<1x128xf32, #tpu.memory_space<vmem>>, %arg20: memref<128x64xf32, #tpu.memory_space<vmem>>, %arg21: memref<1x64xf32, #tpu.memory_space<vmem>>, %arg22: memref<64x128xf32, #tpu.memory_space<vmem>>, %arg23: memref<1x128xf32, #tpu.memory_space<vmem>>, %arg24: memref<1x1x128xf32, #tpu.memory_space<vmem>>) attributes {dimension_semantics = [#tpu.dimension_semantics<arbitrary>], iteration_bounds = array<i64: 10>, scalar_prefetch = 0 : i64, scratch_operands = 0 : i64, tpu.core_type = #tpu.core_type<tc>, window_params = [{transform_indices = @transform_0, window_bounds = array<i64: 1, 1000, 1000>}, {transform_indices = @transform_1, window_bounds = array<i64: 1, 1000, 128>}, {pipeline_mode = #tpu.pipeline_mode<synchronous>, transform_indices = @transform_2, window_bounds = array<i64: 128, 128>}, {pipeline_mode = #tpu.pipeline_mode<synchronous>, transform_indices = @transform_3, window_bounds = array<i64: 1, 128>}, {pipeline_mode = #tpu.pipeline_mode<synchronous>, transform_indices = @transform_4, window_bounds = array<i64: 128, 128>}, {pipeline_mode = #tpu.pipeline_mode<synchronous>, transform_indices = @transform_5, window_bounds = array<i64: 1, 128>}, {pipeline_mode = #tpu.pipeline_mode<synchronous>, transform_indices = @transform_6, window_bounds = array<i64: 128, 128>}, {pipeline_mode = #tpu.pipeline_mode<synchronous>, transform_indices = @transform_7, window_bounds = array<i64: 1, 128>}, {pipeline_mode = #tpu.pipeline_mode<synchronous>, transform_indices = @transform_8, window_bounds = array<i64: 128, 1>}, {pipeline_mode = #tpu.pipeline_mode<synchronous>, transform_indices = @transform_9, window_bounds = array<i64: 128, 1>}, {pipeline_mode = #tpu.pipeline_mode<synchronous>, transform_indices = @transform_10, window_bounds = array<i64: 128, 1>}, {pipeline_mode = #tpu.pipeline_mode<synchronous>, transform_indices = @transform_11, window_bounds = array<i64: 1, 1>}, {pipeline_mode = #tpu.pipeline_mode<synchronous>, transform_indices = @transform_12, window_bounds = array<i64: 128, 128>}, {pipeline_mode = #tpu.pipeline_mode<synchronous>, transform_indices = @transform_13, window_bounds = array<i64: 128, 128>}, {pipeline_mode = #tpu.pipeline_mode<synchronous>, transform_indices = @transform_14, window_bounds = array<i64: 128, 128>}, {pipeline_mode = #tpu.pipeline_mode<synchronous>, transform_indices = @transform_15, window_bounds = array<i64: 1, 128>}, {pipeline_mode = #tpu.pipeline_mode<synchronous>, transform_indices = @transform_16, window_bounds = array<i64: 128, 128>}, {pipeline_mode = #tpu.pipeline_mode<synchronous>, transform_indices = @transform_17, window_bounds = array<i64: 128, 128>}, {pipeline_mode = #tpu.pipeline_mode<synchronous>, transform_indices = @transform_18, window_bounds = array<i64: 1, 128>}, {pipeline_mode = #tpu.pipeline_mode<synchronous>, transform_indices = @transform_19, window_bounds = array<i64: 128, 64>}, {pipeline_mode = #tpu.pipeline_mode<synchronous>, transform_indices = @transform_20, window_bounds = array<i64: 1, 64>}, {pipeline_mode = #tpu.pipeline_mode<synchronous>, transform_indices = @transform_21, window_bounds = array<i64: 64, 128>}, {pipeline_mode = #tpu.pipeline_mode<synchronous>, transform_indices = @transform_22, window_bounds = array<i64: 1, 128>}, {transform_indices = @transform_23, window_bounds = array<i64: 1, 1, 128>}]} {
    %get3A = arith.constant 0 : index
    %get3A_0 = arith.constant 0 : index
    %get3A_1 = arith.constant 0 : index
    %get3A_2 = vector.load %arg1[%get3A, %get3A_0, %get3A_1] : memref<1x1000x1000xf32, #tpu.memory_space<vmem>>, vector<1x1000x1000xf32>
    %get3A_3 = vector.shape_cast %get3A_2 : vector<1x1000x1000xf32> to vector<1000x1000xf32>
    %get3A_4 = arith.constant 0 : index
    %get3A_5 = arith.constant 0 : index
    %get3A_6 = arith.constant 0 : index
    %get3A_7 = vector.load %arg2[%get3A_4, %get3A_5, %get3A_6] : memref<1x1000x128xf32, #tpu.memory_space<vmem>>, vector<1x1000x128xf32>
    %get3A_8 = vector.shape_cast %get3A_7 : vector<1x1000x128xf32> to vector<1000x128xf32>
    %reduce_sum3A = arith.constant dense<0.000000e+00> : vector<1000xf32>
    %reduce_sum3A_9 = vector.multi_reduction <add>, %get3A_3, %reduce_sum3A [1] : vector<1000x1000xf32> to vector<1000xf32>
    %broadcast_in_dim3A = vector.shape_cast %reduce_sum3A_9 : vector<1000xf32> to vector<1000x1xf32>
    %add3A = arith.constant 1.000000e+00 : f32
    %add3A_10 = vector.broadcast %add3A : f32 to vector<1000x1xf32>
    %add3A_11 = arith.addf %broadcast_in_dim3A, %add3A_10 : vector<1000x1xf32>
    %rsqrt3A = math.rsqrt %add3A_11 : vector<1000x1xf32>
    %get3A_12 = arith.constant 0 : index
    %get3A_13 = arith.constant 0 : index
    %get3A_14 = vector.load %arg3[%get3A_12, %get3A_13] : memref<128x128xf32, #tpu.memory_space<vmem>>, vector<128x128xf32>
    %dot_general3A = arith.constant dense<0.000000e+00> : vector<1000x128xf32>
    %dot_general3A_15 = tpu.matmul %get3A_8, %get3A_14, %dot_general3A {dimension_numbers = #tpu.dot_dimension_numbers<[1], [0], [0], [1], [0, 0, 1, 1], [], []>, precision = #tpu.contract_precision<fp32>, transpose_lhs_hint = false} : vector<1000x128xf32>, vector<128x128xf32>, vector<1000x128xf32> -> vector<1000x128xf32>
    %mul3A = vector.broadcast %rsqrt3A : vector<1000x1xf32> to vector<1000x128xf32>
    %mul3A_16 = arith.mulf %mul3A, %dot_general3A_15 : vector<1000x128xf32>
    %dot_general3A_17 = arith.constant dense<0.000000e+00> : vector<1000x128xf32>
    %dot_general3A_18 = tpu.matmul %get3A_3, %mul3A_16, %dot_general3A_17 {dimension_numbers = #tpu.dot_dimension_numbers<[1], [0], [0], [1], [0, 0, 1, 1], [], []>, precision = #tpu.contract_precision<fp32>, transpose_lhs_hint = false} : vector<1000x1000xf32>, vector<1000x128xf32>, vector<1000x128xf32> -> vector<1000x128xf32>
    %add3A_19 = arith.addf %dot_general3A_18, %mul3A_16 : vector<1000x128xf32>
    %mul3A_20 = vector.broadcast %rsqrt3A : vector<1000x1xf32> to vector<1000x128xf32>
    %mul3A_21 = arith.mulf %mul3A_20, %add3A_19 : vector<1000x128xf32>
    %get3A_22 = arith.constant 0 : index
    %get3A_23 = arith.constant 0 : index
    %get3A_24 = vector.load %arg4[%get3A_22, %get3A_23] : memref<1x128xf32, #tpu.memory_space<vmem>>, vector<1x128xf32>
    %add3A_25 = vector.broadcast %get3A_24 : vector<1x128xf32> to vector<1000x128xf32>
    %add3A_26 = arith.addf %mul3A_21, %add3A_25 : vector<1000x128xf32>
    %max3A = arith.constant 0.000000e+00 : f32
    %max3A_27 = vector.broadcast %max3A : f32 to vector<1000x128xf32>
    %max3A_28 = arith.maximumf %add3A_26, %max3A_27 : vector<1000x128xf32>
    %get3A_29 = arith.constant 0 : index
    %get3A_30 = arith.constant 0 : index
    %get3A_31 = vector.load %arg5[%get3A_29, %get3A_30] : memref<128x128xf32, #tpu.memory_space<vmem>>, vector<128x128xf32>
    %dot_general3A_32 = arith.constant dense<0.000000e+00> : vector<1000x128xf32>
    %dot_general3A_33 = tpu.matmul %max3A_28, %get3A_31, %dot_general3A_32 {dimension_numbers = #tpu.dot_dimension_numbers<[1], [0], [0], [1], [0, 0, 1, 1], [], []>, precision = #tpu.contract_precision<fp32>, transpose_lhs_hint = false} : vector<1000x128xf32>, vector<128x128xf32>, vector<1000x128xf32> -> vector<1000x128xf32>
    %mul3A_34 = vector.broadcast %rsqrt3A : vector<1000x1xf32> to vector<1000x128xf32>
    %mul3A_35 = arith.mulf %mul3A_34, %dot_general3A_33 : vector<1000x128xf32>
    %dot_general3A_36 = arith.constant dense<0.000000e+00> : vector<1000x128xf32>
    %dot_general3A_37 = tpu.matmul %get3A_3, %mul3A_35, %dot_general3A_36 {dimension_numbers = #tpu.dot_dimension_numbers<[1], [0], [0], [1], [0, 0, 1, 1], [], []>, precision = #tpu.contract_precision<fp32>, transpose_lhs_hint = false} : vector<1000x1000xf32>, vector<1000x128xf32>, vector<1000x128xf32> -> vector<1000x128xf32>
    %add3A_38 = arith.addf %dot_general3A_37, %mul3A_35 : vector<1000x128xf32>
    %mul3A_39 = vector.broadcast %rsqrt3A : vector<1000x1xf32> to vector<1000x128xf32>
    %mul3A_40 = arith.mulf %mul3A_39, %add3A_38 : vector<1000x128xf32>
    %get3A_41 = arith.constant 0 : index
    %get3A_42 = arith.constant 0 : index
    %get3A_43 = vector.load %arg6[%get3A_41, %get3A_42] : memref<1x128xf32, #tpu.memory_space<vmem>>, vector<1x128xf32>
    %add3A_44 = vector.broadcast %get3A_43 : vector<1x128xf32> to vector<1000x128xf32>
    %add3A_45 = arith.addf %mul3A_40, %add3A_44 : vector<1000x128xf32>
    %max3A_46 = arith.constant 0.000000e+00 : f32
    %max3A_47 = vector.broadcast %max3A_46 : f32 to vector<1000x128xf32>
    %max3A_48 = arith.maximumf %add3A_45, %max3A_47 : vector<1000x128xf32>
    %get3A_49 = arith.constant 0 : index
    %get3A_50 = arith.constant 0 : index
    %get3A_51 = vector.load %arg7[%get3A_49, %get3A_50] : memref<128x128xf32, #tpu.memory_space<vmem>>, vector<128x128xf32>
    %dot_general3A_52 = arith.constant dense<0.000000e+00> : vector<1000x128xf32>
    %dot_general3A_53 = tpu.matmul %max3A_48, %get3A_51, %dot_general3A_52 {dimension_numbers = #tpu.dot_dimension_numbers<[1], [0], [0], [1], [0, 0, 1, 1], [], []>, precision = #tpu.contract_precision<fp32>, transpose_lhs_hint = false} : vector<1000x128xf32>, vector<128x128xf32>, vector<1000x128xf32> -> vector<1000x128xf32>
    %mul3A_54 = vector.broadcast %rsqrt3A : vector<1000x1xf32> to vector<1000x128xf32>
    %mul3A_55 = arith.mulf %mul3A_54, %dot_general3A_53 : vector<1000x128xf32>
    %dot_general3A_56 = arith.constant dense<0.000000e+00> : vector<1000x128xf32>
    %dot_general3A_57 = tpu.matmul %get3A_3, %mul3A_55, %dot_general3A_56 {dimension_numbers = #tpu.dot_dimension_numbers<[1], [0], [0], [1], [0, 0, 1, 1], [], []>, precision = #tpu.contract_precision<fp32>, transpose_lhs_hint = false} : vector<1000x1000xf32>, vector<1000x128xf32>, vector<1000x128xf32> -> vector<1000x128xf32>
    %add3A_58 = arith.addf %dot_general3A_57, %mul3A_55 : vector<1000x128xf32>
    %mul3A_59 = vector.broadcast %rsqrt3A : vector<1000x1xf32> to vector<1000x128xf32>
    %mul3A_60 = arith.mulf %mul3A_59, %add3A_58 : vector<1000x128xf32>
    %get3A_61 = arith.constant 0 : index
    %get3A_62 = arith.constant 0 : index
    %get3A_63 = vector.load %arg8[%get3A_61, %get3A_62] : memref<1x128xf32, #tpu.memory_space<vmem>>, vector<1x128xf32>
    %add3A_64 = vector.broadcast %get3A_63 : vector<1x128xf32> to vector<1000x128xf32>
    %add3A_65 = arith.addf %mul3A_60, %add3A_64 : vector<1000x128xf32>
    %max3A_66 = arith.constant 0.000000e+00 : f32
    %max3A_67 = vector.broadcast %max3A_66 : f32 to vector<1000x128xf32>
    %max3A_68 = arith.maximumf %add3A_65, %max3A_67 : vector<1000x128xf32>
    %get3A_69 = arith.constant 0 : index
    %get3A_70 = arith.constant 0 : index
    %get3A_71 = vector.load %arg9[%get3A_69, %get3A_70] : memref<128x1xf32, #tpu.memory_space<vmem>>, vector<128x1xf32>
    %dot_general3A_72 = arith.constant dense<0.000000e+00> : vector<1000x1xf32>
    %dot_general3A_73 = tpu.matmul %max3A_28, %get3A_71, %dot_general3A_72 {dimension_numbers = #tpu.dot_dimension_numbers<[1], [0], [0], [1], [0, 0, 1, 1], [], []>, precision = #tpu.contract_precision<fp32>, transpose_lhs_hint = false} : vector<1000x128xf32>, vector<128x1xf32>, vector<1000x1xf32> -> vector<1000x1xf32>
    %get3A_74 = arith.constant 0 : index
    %get3A_75 = arith.constant 0 : index
    %get3A_76 = vector.load %arg10[%get3A_74, %get3A_75] : memref<128x1xf32, #tpu.memory_space<vmem>>, vector<128x1xf32>
    %dot_general3A_77 = arith.constant dense<0.000000e+00> : vector<1000x1xf32>
    %dot_general3A_78 = tpu.matmul %max3A_48, %get3A_76, %dot_general3A_77 {dimension_numbers = #tpu.dot_dimension_numbers<[1], [0], [0], [1], [0, 0, 1, 1], [], []>, precision = #tpu.contract_precision<fp32>, transpose_lhs_hint = false} : vector<1000x128xf32>, vector<128x1xf32>, vector<1000x1xf32> -> vector<1000x1xf32>
    %add3A_79 = arith.addf %dot_general3A_73, %dot_general3A_78 : vector<1000x1xf32>
    %get3A_80 = arith.constant 0 : index
    %get3A_81 = arith.constant 0 : index
    %get3A_82 = vector.load %arg11[%get3A_80, %get3A_81] : memref<128x1xf32, #tpu.memory_space<vmem>>, vector<128x1xf32>
    %dot_general3A_83 = arith.constant dense<0.000000e+00> : vector<1000x1xf32>
    %dot_general3A_84 = tpu.matmul %max3A_68, %get3A_82, %dot_general3A_83 {dimension_numbers = #tpu.dot_dimension_numbers<[1], [0], [0], [1], [0, 0, 1, 1], [], []>, precision = #tpu.contract_precision<fp32>, transpose_lhs_hint = false} : vector<1000x128xf32>, vector<128x1xf32>, vector<1000x1xf32> -> vector<1000x1xf32>
    %add3A_85 = arith.addf %add3A_79, %dot_general3A_84 : vector<1000x1xf32>
    %get3A_86 = arith.constant 0 : index
    %get3A_87 = arith.constant 0 : index
    %get3A_88 = vector.load %arg13[%get3A_86, %get3A_87] : memref<128x128xf32, #tpu.memory_space<vmem>>, vector<128x128xf32>
    %dot_general3A_89 = arith.constant dense<0.000000e+00> : vector<1000x128xf32>
    %dot_general3A_90 = tpu.matmul %max3A_28, %get3A_88, %dot_general3A_89 {dimension_numbers = #tpu.dot_dimension_numbers<[1], [0], [0], [1], [0, 0, 1, 1], [], []>, precision = #tpu.contract_precision<fp32>, transpose_lhs_hint = false} : vector<1000x128xf32>, vector<128x128xf32>, vector<1000x128xf32> -> vector<1000x128xf32>
    %get3A_91 = arith.constant 0 : index
    %get3A_92 = arith.constant 0 : index
    %get3A_93 = vector.load %arg14[%get3A_91, %get3A_92] : memref<128x128xf32, #tpu.memory_space<vmem>>, vector<128x128xf32>
    %dot_general3A_94 = arith.constant dense<0.000000e+00> : vector<1000x128xf32>
    %dot_general3A_95 = tpu.matmul %max3A_48, %get3A_93, %dot_general3A_94 {dimension_numbers = #tpu.dot_dimension_numbers<[1], [0], [0], [1], [0, 0, 1, 1], [], []>, precision = #tpu.contract_precision<fp32>, transpose_lhs_hint = false} : vector<1000x128xf32>, vector<128x128xf32>, vector<1000x128xf32> -> vector<1000x128xf32>
    %add3A_96 = arith.addf %dot_general3A_90, %dot_general3A_95 : vector<1000x128xf32>
    %get3A_97 = arith.constant 0 : index
    %get3A_98 = arith.constant 0 : index
    %get3A_99 = vector.load %arg15[%get3A_97, %get3A_98] : memref<128x128xf32, #tpu.memory_space<vmem>>, vector<128x128xf32>
    %dot_general3A_100 = arith.constant dense<0.000000e+00> : vector<1000x128xf32>
    %dot_general3A_101 = tpu.matmul %max3A_68, %get3A_99, %dot_general3A_100 {dimension_numbers = #tpu.dot_dimension_numbers<[1], [0], [0], [1], [0, 0, 1, 1], [], []>, precision = #tpu.contract_precision<fp32>, transpose_lhs_hint = false} : vector<1000x128xf32>, vector<128x128xf32>, vector<1000x128xf32> -> vector<1000x128xf32>
    %add3A_102 = arith.addf %add3A_96, %dot_general3A_101 : vector<1000x128xf32>
    %get3A_103 = arith.constant 0 : index
    %get3A_104 = arith.constant 0 : index
    %get3A_105 = vector.load %arg12[%get3A_103, %get3A_104] : memref<1x1xf32, #tpu.memory_space<vmem>>, vector<1x1xf32>
    %get3A_106 = arith.constant 0 : index
    %get3A_107 = arith.constant 0 : index
    %get3A_108 = vector.load %arg16[%get3A_106, %get3A_107] : memref<1x128xf32, #tpu.memory_space<vmem>>, vector<1x128xf32>
    %slice3A = vector.extract_strided_slice %get3A_3 {offsets = [0, 0], sizes = [600, 600], strides = [1, 1]} : vector<1000x1000xf32> to vector<600x600xf32>
    %slice3A_109 = vector.extract_strided_slice %add3A_85 {offsets = [0, 0], sizes = [600, 1], strides = [1, 1]} : vector<1000x1xf32> to vector<600x1xf32>
    %slice3A_110 = vector.extract_strided_slice %add3A_102 {offsets = [0, 0], sizes = [600, 128], strides = [1, 1]} : vector<1000x128xf32> to vector<600x128xf32>
    %reduce_sum3A_111 = arith.constant dense<0.000000e+00> : vector<600xf32>
    %reduce_sum3A_112 = vector.multi_reduction <add>, %slice3A, %reduce_sum3A_111 [1] : vector<600x600xf32> to vector<600xf32>
    %broadcast_in_dim3A_113 = vector.shape_cast %reduce_sum3A_112 : vector<600xf32> to vector<600x1xf32>
    %add3A_114 = arith.constant 1.000000e+00 : f32
    %add3A_115 = vector.broadcast %add3A_114 : f32 to vector<600x1xf32>
    %add3A_116 = arith.addf %broadcast_in_dim3A_113, %add3A_115 : vector<600x1xf32>
    %rsqrt3A_117 = math.rsqrt %add3A_116 : vector<600x1xf32>
    %mul3A_118 = arith.mulf %rsqrt3A_117, %slice3A_109 : vector<600x1xf32>
    %dot_general3A_119 = arith.constant dense<0.000000e+00> : vector<600x1xf32>
    %dot_general3A_120 = tpu.matmul %slice3A, %mul3A_118, %dot_general3A_119 {dimension_numbers = #tpu.dot_dimension_numbers<[1], [0], [0], [1], [0, 0, 1, 1], [], []>, precision = #tpu.contract_precision<fp32>, transpose_lhs_hint = false} : vector<600x600xf32>, vector<600x1xf32>, vector<600x1xf32> -> vector<600x1xf32>
    %add3A_121 = arith.addf %dot_general3A_120, %mul3A_118 : vector<600x1xf32>
    %mul3A_122 = arith.mulf %rsqrt3A_117, %add3A_121 : vector<600x1xf32>
    %add3A_123 = vector.broadcast %get3A_105 : vector<1x1xf32> to vector<600x1xf32>
    %add3A_124 = arith.addf %mul3A_122, %add3A_123 : vector<600x1xf32>
    %broadcast_in_dim3A_125 = arith.constant 1.000000e+00 : f32
    %broadcast_in_dim3A_126 = vector.broadcast %broadcast_in_dim3A_125 : f32 to vector<600x1xf32>
    %dot_general3A_127 = arith.constant dense<0.000000e+00> : vector<600x600xf32>
    %dot_general3A_128 = tpu.matmul %broadcast_in_dim3A_126, %add3A_124, %dot_general3A_127 {dimension_numbers = #tpu.dot_dimension_numbers<[1], [1], [0], [0], [0, 0, 1, 0], [], []>, precision = #tpu.contract_precision<fp32>, transpose_lhs_hint = false} : vector<600x1xf32>, vector<600x1xf32>, vector<600x600xf32> -> vector<600x600xf32>
    %broadcast_in_dim3A_129 = vector.shape_cast %add3A_124 : vector<600x1xf32> to vector<600x1xf32>
    %broadcast_in_dim3A_130 = vector.broadcast %broadcast_in_dim3A_129 : vector<600x1xf32> to vector<600x600xf32>
    %iota3A = tpu.iota {dimensions = array<i32: 0>} : vector<600x600xi32>
    %iota3A_131 = tpu.iota {dimensions = array<i32: 1>} : vector<600x600xi32>
    %gt3A = arith.cmpf ogt, %dot_general3A_128, %broadcast_in_dim3A_130 : vector<600x600xf32>
    %convert_element_type3A = arith.extui %gt3A : vector<600x600xi1> to vector<600x600xi32>
    %convert_element_type3A_132 = arith.sitofp %convert_element_type3A : vector<600x600xi32> to vector<600x600xf32>
    %eq3A = arith.cmpf oeq, %dot_general3A_128, %broadcast_in_dim3A_130 : vector<600x600xf32>
    %lt3A = arith.cmpi slt, %iota3A_131, %iota3A : vector<600x600xi32>
    %and3A = arith.andi %eq3A, %lt3A : vector<600x600xi1>
    %convert_element_type3A_133 = arith.extui %and3A : vector<600x600xi1> to vector<600x600xi32>
    %convert_element_type3A_134 = arith.sitofp %convert_element_type3A_133 : vector<600x600xi32> to vector<600x600xf32>
    %add3A_135 = arith.addf %convert_element_type3A_132, %convert_element_type3A_134 : vector<600x600xf32>
    %reduce_sum3A_136 = arith.constant dense<0.000000e+00> : vector<600xf32>
    %reduce_sum3A_137 = vector.multi_reduction <add>, %add3A_135, %reduce_sum3A_136 [1] : vector<600x600xf32> to vector<600xf32>
    %broadcast_in_dim3A_138 = vector.shape_cast %reduce_sum3A_137 : vector<600xf32> to vector<600x1xf32>
    %lt3A_139 = arith.constant 3.000000e+02 : f32
    %lt3A_140 = vector.broadcast %lt3A_139 : f32 to vector<600x1xf32>
    %lt3A_141 = arith.cmpf olt, %broadcast_in_dim3A_138, %lt3A_140 : vector<600x1xf32>
    %convert_element_type3A_142 = arith.extui %lt3A_141 : vector<600x1xi1> to vector<600x1xi32>
    %convert_element_type3A_143 = arith.sitofp %convert_element_type3A_142 : vector<600x1xi32> to vector<600x1xf32>
    %tanh3A = math.tanh %add3A_124 : vector<600x1xf32>
    %mul3A_144 = arith.mulf %convert_element_type3A_143, %tanh3A : vector<600x1xf32>
    %mul3A_145 = vector.broadcast %mul3A_144 : vector<600x1xf32> to vector<600x128xf32>
    %mul3A_146 = arith.mulf %mul3A_145, %slice3A_110 : vector<600x128xf32>
    %dot_general3A_147 = arith.constant dense<0.000000e+00> : vector<600x1xf32>
    %dot_general3A_148 = tpu.matmul %slice3A, %convert_element_type3A_143, %dot_general3A_147 {dimension_numbers = #tpu.dot_dimension_numbers<[1], [0], [0], [1], [0, 0, 1, 1], [], []>, precision = #tpu.contract_precision<fp32>, transpose_lhs_hint = false} : vector<600x600xf32>, vector<600x1xf32>, vector<600x1xf32> -> vector<600x1xf32>
    %add3A_149 = arith.constant 1.000000e+00 : f32
    %add3A_150 = vector.broadcast %add3A_149 : f32 to vector<600x1xf32>
    %add3A_151 = arith.addf %dot_general3A_148, %add3A_150 : vector<600x1xf32>
    %rsqrt3A_152 = math.rsqrt %add3A_151 : vector<600x1xf32>
    %mul3A_153 = arith.mulf %convert_element_type3A_143, %rsqrt3A_152 : vector<600x1xf32>
    %mul3A_154 = vector.broadcast %mul3A_153 : vector<600x1xf32> to vector<600x128xf32>
    %mul3A_155 = arith.mulf %mul3A_154, %mul3A_146 : vector<600x128xf32>
    %dot_general3A_156 = arith.constant dense<0.000000e+00> : vector<600x128xf32>
    %dot_general3A_157 = tpu.matmul %slice3A, %mul3A_155, %dot_general3A_156 {dimension_numbers = #tpu.dot_dimension_numbers<[1], [0], [0], [1], [0, 0, 1, 1], [], []>, precision = #tpu.contract_precision<fp32>, transpose_lhs_hint = false} : vector<600x600xf32>, vector<600x128xf32>, vector<600x128xf32> -> vector<600x128xf32>
    %add3A_158 = arith.addf %dot_general3A_157, %mul3A_155 : vector<600x128xf32>
    %mul3A_159 = vector.broadcast %mul3A_153 : vector<600x1xf32> to vector<600x128xf32>
    %mul3A_160 = arith.mulf %mul3A_159, %add3A_158 : vector<600x128xf32>
    %add3A_161 = vector.broadcast %get3A_108 : vector<1x128xf32> to vector<600x128xf32>
    %add3A_162 = arith.addf %mul3A_160, %add3A_161 : vector<600x128xf32>
    %max3A_163 = arith.constant 0.000000e+00 : f32
    %max3A_164 = vector.broadcast %max3A_163 : f32 to vector<600x128xf32>
    %max3A_165 = arith.maximumf %add3A_162, %max3A_164 : vector<600x128xf32>
    %mul3A_166 = vector.broadcast %convert_element_type3A_143 : vector<600x1xf32> to vector<600x128xf32>
    %mul3A_167 = arith.mulf %mul3A_166, %max3A_165 : vector<600x128xf32>
    %reduce_sum3A_168 = arith.constant dense<0.000000e+00> : vector<128xf32>
    %reduce_sum3A_169 = vector.multi_reduction <add>, %mul3A_167, %reduce_sum3A_168 [0] : vector<600x128xf32> to vector<128xf32>
    %broadcast_in_dim3A_170 = vector.shape_cast %reduce_sum3A_169 : vector<128xf32> to vector<1x128xf32>
    %div3A = arith.constant 3.000000e+02 : f32
    %div3A_171 = vector.broadcast %div3A : f32 to vector<1x128xf32>
    %div3A_172 = arith.divf %broadcast_in_dim3A_170, %div3A_171 : vector<1x128xf32>
    %slice3A_173 = vector.extract_strided_slice %get3A_3 {offsets = [600, 600], sizes = [400, 400], strides = [1, 1]} : vector<1000x1000xf32> to vector<400x400xf32>
    %slice3A_174 = vector.extract_strided_slice %add3A_85 {offsets = [600, 0], sizes = [400, 1], strides = [1, 1]} : vector<1000x1xf32> to vector<400x1xf32>
    %slice3A_175 = vector.extract_strided_slice %add3A_102 {offsets = [600, 0], sizes = [400, 128], strides = [1, 1]} : vector<1000x128xf32> to vector<400x128xf32>
    %reduce_sum3A_176 = arith.constant dense<0.000000e+00> : vector<400xf32>
    %reduce_sum3A_177 = vector.multi_reduction <add>, %slice3A_173, %reduce_sum3A_176 [1] : vector<400x400xf32> to vector<400xf32>
    %broadcast_in_dim3A_178 = vector.shape_cast %reduce_sum3A_177 : vector<400xf32> to vector<400x1xf32>
    %add3A_179 = arith.constant 1.000000e+00 : f32
    %add3A_180 = vector.broadcast %add3A_179 : f32 to vector<400x1xf32>
    %add3A_181 = arith.addf %broadcast_in_dim3A_178, %add3A_180 : vector<400x1xf32>
    %rsqrt3A_182 = math.rsqrt %add3A_181 : vector<400x1xf32>
    %mul3A_183 = arith.mulf %rsqrt3A_182, %slice3A_174 : vector<400x1xf32>
    %dot_general3A_184 = arith.constant dense<0.000000e+00> : vector<400x1xf32>
    %dot_general3A_185 = tpu.matmul %slice3A_173, %mul3A_183, %dot_general3A_184 {dimension_numbers = #tpu.dot_dimension_numbers<[1], [0], [0], [1], [0, 0, 1, 1], [], []>, precision = #tpu.contract_precision<fp32>, transpose_lhs_hint = false} : vector<400x400xf32>, vector<400x1xf32>, vector<400x1xf32> -> vector<400x1xf32>
    %add3A_186 = arith.addf %dot_general3A_185, %mul3A_183 : vector<400x1xf32>
    %mul3A_187 = arith.mulf %rsqrt3A_182, %add3A_186 : vector<400x1xf32>
    %add3A_188 = vector.broadcast %get3A_105 : vector<1x1xf32> to vector<400x1xf32>
    %add3A_189 = arith.addf %mul3A_187, %add3A_188 : vector<400x1xf32>
    %broadcast_in_dim3A_190 = arith.constant 1.000000e+00 : f32
    %broadcast_in_dim3A_191 = vector.broadcast %broadcast_in_dim3A_190 : f32 to vector<400x1xf32>
    %dot_general3A_192 = arith.constant dense<0.000000e+00> : vector<400x400xf32>
    %dot_general3A_193 = tpu.matmul %broadcast_in_dim3A_191, %add3A_189, %dot_general3A_192 {dimension_numbers = #tpu.dot_dimension_numbers<[1], [1], [0], [0], [0, 0, 1, 0], [], []>, precision = #tpu.contract_precision<fp32>, transpose_lhs_hint = false} : vector<400x1xf32>, vector<400x1xf32>, vector<400x400xf32> -> vector<400x400xf32>
    %broadcast_in_dim3A_194 = vector.shape_cast %add3A_189 : vector<400x1xf32> to vector<400x1xf32>
    %broadcast_in_dim3A_195 = vector.broadcast %broadcast_in_dim3A_194 : vector<400x1xf32> to vector<400x400xf32>
    %iota3A_196 = tpu.iota {dimensions = array<i32: 0>} : vector<400x400xi32>
    %iota3A_197 = tpu.iota {dimensions = array<i32: 1>} : vector<400x400xi32>
    %gt3A_198 = arith.cmpf ogt, %dot_general3A_193, %broadcast_in_dim3A_195 : vector<400x400xf32>
    %convert_element_type3A_199 = arith.extui %gt3A_198 : vector<400x400xi1> to vector<400x400xi32>
    %convert_element_type3A_200 = arith.sitofp %convert_element_type3A_199 : vector<400x400xi32> to vector<400x400xf32>
    %eq3A_201 = arith.cmpf oeq, %dot_general3A_193, %broadcast_in_dim3A_195 : vector<400x400xf32>
    %lt3A_202 = arith.cmpi slt, %iota3A_197, %iota3A_196 : vector<400x400xi32>
    %and3A_203 = arith.andi %eq3A_201, %lt3A_202 : vector<400x400xi1>
    %convert_element_type3A_204 = arith.extui %and3A_203 : vector<400x400xi1> to vector<400x400xi32>
    %convert_element_type3A_205 = arith.sitofp %convert_element_type3A_204 : vector<400x400xi32> to vector<400x400xf32>
    %add3A_206 = arith.addf %convert_element_type3A_200, %convert_element_type3A_205 : vector<400x400xf32>
    %reduce_sum3A_207 = arith.constant dense<0.000000e+00> : vector<400xf32>
    %reduce_sum3A_208 = vector.multi_reduction <add>, %add3A_206, %reduce_sum3A_207 [1] : vector<400x400xf32> to vector<400xf32>
    %broadcast_in_dim3A_209 = vector.shape_cast %reduce_sum3A_208 : vector<400xf32> to vector<400x1xf32>
    %lt3A_210 = arith.constant 2.000000e+02 : f32
    %lt3A_211 = vector.broadcast %lt3A_210 : f32 to vector<400x1xf32>
    %lt3A_212 = arith.cmpf olt, %broadcast_in_dim3A_209, %lt3A_211 : vector<400x1xf32>
    %convert_element_type3A_213 = arith.extui %lt3A_212 : vector<400x1xi1> to vector<400x1xi32>
    %convert_element_type3A_214 = arith.sitofp %convert_element_type3A_213 : vector<400x1xi32> to vector<400x1xf32>
    %tanh3A_215 = math.tanh %add3A_189 : vector<400x1xf32>
    %mul3A_216 = arith.mulf %convert_element_type3A_214, %tanh3A_215 : vector<400x1xf32>
    %mul3A_217 = vector.broadcast %mul3A_216 : vector<400x1xf32> to vector<400x128xf32>
    %mul3A_218 = arith.mulf %mul3A_217, %slice3A_175 : vector<400x128xf32>
    %dot_general3A_219 = arith.constant dense<0.000000e+00> : vector<400x1xf32>
    %dot_general3A_220 = tpu.matmul %slice3A_173, %convert_element_type3A_214, %dot_general3A_219 {dimension_numbers = #tpu.dot_dimension_numbers<[1], [0], [0], [1], [0, 0, 1, 1], [], []>, precision = #tpu.contract_precision<fp32>, transpose_lhs_hint = false} : vector<400x400xf32>, vector<400x1xf32>, vector<400x1xf32> -> vector<400x1xf32>
    %add3A_221 = arith.constant 1.000000e+00 : f32
    %add3A_222 = vector.broadcast %add3A_221 : f32 to vector<400x1xf32>
    %add3A_223 = arith.addf %dot_general3A_220, %add3A_222 : vector<400x1xf32>
    %rsqrt3A_224 = math.rsqrt %add3A_223 : vector<400x1xf32>
    %mul3A_225 = arith.mulf %convert_element_type3A_214, %rsqrt3A_224 : vector<400x1xf32>
    %mul3A_226 = vector.broadcast %mul3A_225 : vector<400x1xf32> to vector<400x128xf32>
    %mul3A_227 = arith.mulf %mul3A_226, %mul3A_218 : vector<400x128xf32>
    %dot_general3A_228 = arith.constant dense<0.000000e+00> : vector<400x128xf32>
    %dot_general3A_229 = tpu.matmul %slice3A_173, %mul3A_227, %dot_general3A_228 {dimension_numbers = #tpu.dot_dimension_numbers<[1], [0], [0], [1], [0, 0, 1, 1], [], []>, precision = #tpu.contract_precision<fp32>, transpose_lhs_hint = false} : vector<400x400xf32>, vector<400x128xf32>, vector<400x128xf32> -> vector<400x128xf32>
    %add3A_230 = arith.addf %dot_general3A_229, %mul3A_227 : vector<400x128xf32>
    %mul3A_231 = vector.broadcast %mul3A_225 : vector<400x1xf32> to vector<400x128xf32>
    %mul3A_232 = arith.mulf %mul3A_231, %add3A_230 : vector<400x128xf32>
    %add3A_233 = vector.broadcast %get3A_108 : vector<1x128xf32> to vector<400x128xf32>
    %add3A_234 = arith.addf %mul3A_232, %add3A_233 : vector<400x128xf32>
    %max3A_235 = arith.constant 0.000000e+00 : f32
    %max3A_236 = vector.broadcast %max3A_235 : f32 to vector<400x128xf32>
    %max3A_237 = arith.maximumf %add3A_234, %max3A_236 : vector<400x128xf32>
    %mul3A_238 = vector.broadcast %convert_element_type3A_214 : vector<400x1xf32> to vector<400x128xf32>
    %mul3A_239 = arith.mulf %mul3A_238, %max3A_237 : vector<400x128xf32>
    %reduce_sum3A_240 = arith.constant dense<0.000000e+00> : vector<128xf32>
    %reduce_sum3A_241 = vector.multi_reduction <add>, %mul3A_239, %reduce_sum3A_240 [0] : vector<400x128xf32> to vector<128xf32>
    %broadcast_in_dim3A_242 = vector.shape_cast %reduce_sum3A_241 : vector<128xf32> to vector<1x128xf32>
    %div3A_243 = arith.constant 2.000000e+02 : f32
    %div3A_244 = vector.broadcast %div3A_243 : f32 to vector<1x128xf32>
    %div3A_245 = arith.divf %broadcast_in_dim3A_242, %div3A_244 : vector<1x128xf32>
    %get3A_246 = arith.constant 0 : index
    %get3A_247 = arith.constant 0 : index
    %get3A_248 = vector.load %arg17[%get3A_246, %get3A_247] : memref<128x128xf32, #tpu.memory_space<vmem>>, vector<128x128xf32>
    %dot_general3A_249 = arith.constant dense<0.000000e+00> : vector<1x128xf32>
    %dot_general3A_250 = tpu.matmul %div3A_172, %get3A_248, %dot_general3A_249 {dimension_numbers = #tpu.dot_dimension_numbers<[1], [0], [0], [1], [0, 0, 1, 1], [], []>, precision = #tpu.contract_precision<fp32>, transpose_lhs_hint = false} : vector<1x128xf32>, vector<128x128xf32>, vector<1x128xf32> -> vector<1x128xf32>
    %get3A_251 = arith.constant 0 : index
    %get3A_252 = arith.constant 0 : index
    %get3A_253 = vector.load %arg18[%get3A_251, %get3A_252] : memref<128x128xf32, #tpu.memory_space<vmem>>, vector<128x128xf32>
    %dot_general3A_254 = arith.constant dense<0.000000e+00> : vector<1x128xf32>
    %dot_general3A_255 = tpu.matmul %div3A_245, %get3A_253, %dot_general3A_254 {dimension_numbers = #tpu.dot_dimension_numbers<[1], [0], [0], [1], [0, 0, 1, 1], [], []>, precision = #tpu.contract_precision<fp32>, transpose_lhs_hint = false} : vector<1x128xf32>, vector<128x128xf32>, vector<1x128xf32> -> vector<1x128xf32>
    %add3A_256 = arith.addf %dot_general3A_250, %dot_general3A_255 : vector<1x128xf32>
    %get3A_257 = arith.constant 0 : index
    %get3A_258 = arith.constant 0 : index
    %get3A_259 = vector.load %arg19[%get3A_257, %get3A_258] : memref<1x128xf32, #tpu.memory_space<vmem>>, vector<1x128xf32>
    %add3A_260 = arith.addf %add3A_256, %get3A_259 : vector<1x128xf32>
    %max3A_261 = arith.constant 0.000000e+00 : f32
    %max3A_262 = vector.broadcast %max3A_261 : f32 to vector<1x128xf32>
    %max3A_263 = arith.maximumf %add3A_260, %max3A_262 : vector<1x128xf32>
    %get3A_264 = arith.constant 0 : index
    %get3A_265 = arith.constant 0 : index
    %get3A_266 = vector.load %arg20[%get3A_264, %get3A_265] : memref<128x64xf32, #tpu.memory_space<vmem>>, vector<128x64xf32>
    %dot_general3A_267 = arith.constant dense<0.000000e+00> : vector<1x64xf32>
    %dot_general3A_268 = tpu.matmul %max3A_263, %get3A_266, %dot_general3A_267 {dimension_numbers = #tpu.dot_dimension_numbers<[1], [0], [0], [1], [0, 0, 1, 1], [], []>, precision = #tpu.contract_precision<fp32>, transpose_lhs_hint = false} : vector<1x128xf32>, vector<128x64xf32>, vector<1x64xf32> -> vector<1x64xf32>
    %get3A_269 = arith.constant 0 : index
    %get3A_270 = arith.constant 0 : index
    %get3A_271 = vector.load %arg21[%get3A_269, %get3A_270] : memref<1x64xf32, #tpu.memory_space<vmem>>, vector<1x64xf32>
    %add3A_272 = arith.addf %dot_general3A_268, %get3A_271 : vector<1x64xf32>
    %max3A_273 = arith.constant 0.000000e+00 : f32
    %max3A_274 = vector.broadcast %max3A_273 : f32 to vector<1x64xf32>
    %max3A_275 = arith.maximumf %add3A_272, %max3A_274 : vector<1x64xf32>
    %get3A_276 = arith.constant 0 : index
    %get3A_277 = arith.constant 0 : index
    %get3A_278 = vector.load %arg22[%get3A_276, %get3A_277] : memref<64x128xf32, #tpu.memory_space<vmem>>, vector<64x128xf32>
    %dot_general3A_279 = arith.constant dense<0.000000e+00> : vector<1x128xf32>
    %dot_general3A_280 = tpu.matmul %max3A_275, %get3A_278, %dot_general3A_279 {dimension_numbers = #tpu.dot_dimension_numbers<[1], [0], [0], [1], [0, 0, 1, 1], [], []>, precision = #tpu.contract_precision<fp32>, transpose_lhs_hint = false} : vector<1x64xf32>, vector<64x128xf32>, vector<1x128xf32> -> vector<1x128xf32>
    %get3A_281 = arith.constant 0 : index
    %get3A_282 = arith.constant 0 : index
    %get3A_283 = vector.load %arg23[%get3A_281, %get3A_282] : memref<1x128xf32, #tpu.memory_space<vmem>>, vector<1x128xf32>
    %add3A_284 = arith.addf %dot_general3A_280, %get3A_283 : vector<1x128xf32>
    %swap3A = arith.constant 0 : index
    %swap3A_285 = arith.constant 0 : index
    %swap3A_286 = arith.constant 0 : index
    %swap3A_287 = vector.load %arg24[%swap3A, %swap3A_285, %swap3A_286] : memref<1x1x128xf32, #tpu.memory_space<vmem>>, vector<1x1x128xf32>
    %swap3A_288 = vector.shape_cast %swap3A_287 : vector<1x1x128xf32> to vector<1x128xf32>
    %swap3A_289 = vector.shape_cast %add3A_284 : vector<1x128xf32> to vector<1x1x128xf32>
    tpu.vector_store %arg24[%swap3A, %swap3A_285, %swap3A_286], %swap3A_289 {strides = array<i32>} : memref<1x1x128xf32, #tpu.memory_space<vmem>>, vector<1x1x128xf32>,
    return
  }
  func.func @transform_0(%arg0: i32) -> (i32, i32, i32) {
    %c0_i32 = arith.constant 0 : i32
    %c0_i32_0 = arith.constant 0 : i32
    %c0_i32_1 = arith.constant 0 : i32
    return %arg0, %c0_i32, %c0_i32_0 : i32, i32, i32
  }
  func.func @transform_1(%arg0: i32) -> (i32, i32, i32) {
    %c0_i32 = arith.constant 0 : i32
    %c0_i32_0 = arith.constant 0 : i32
    %c0_i32_1 = arith.constant 0 : i32
    return %arg0, %c0_i32, %c0_i32_0 : i32, i32, i32
  }
  func.func @transform_2(%arg0: i32) -> (i32, i32) {
    %c0_i32 = arith.constant 0 : i32
    %c0_i32_0 = arith.constant 0 : i32
    %c0_i32_1 = arith.constant 0 : i32
    return %c0_i32, %c0_i32_0 : i32, i32
  }
  func.func @transform_3(%arg0: i32) -> (i32, i32) {
    %c0_i32 = arith.constant 0 : i32
    %c0_i32_0 = arith.constant 0 : i32
    %c0_i32_1 = arith.constant 0 : i32
    return %c0_i32, %c0_i32_0 : i32, i32
  }
  func.func @transform_4(%arg0: i32) -> (i32, i32) {
    %c0_i32 = arith.constant 0 : i32
    %c0_i32_0 = arith.constant 0 : i32
    %c0_i32_1 = arith.constant 0 : i32
    return %c0_i32, %c0_i32_0 : i32, i32
  }
  func.func @transform_5(%arg0: i32) -> (i32, i32) {
    %c0_i32 = arith.constant 0 : i32
    %c0_i32_0 = arith.constant 0 : i32
    %c0_i32_1 = arith.constant 0 : i32
    return %c0_i32, %c0_i32_0 : i32, i32
  }
  func.func @transform_6(%arg0: i32) -> (i32, i32) {
    %c0_i32 = arith.constant 0 : i32
    %c0_i32_0 = arith.constant 0 : i32
    %c0_i32_1 = arith.constant 0 : i32
    return %c0_i32, %c0_i32_0 : i32, i32
  }
  func.func @transform_7(%arg0: i32) -> (i32, i32) {
    %c0_i32 = arith.constant 0 : i32
    %c0_i32_0 = arith.constant 0 : i32
    %c0_i32_1 = arith.constant 0 : i32
    return %c0_i32, %c0_i32_0 : i32, i32
  }
  func.func @transform_8(%arg0: i32) -> (i32, i32) {
    %c0_i32 = arith.constant 0 : i32
    %c0_i32_0 = arith.constant 0 : i32
    %c0_i32_1 = arith.constant 0 : i32
    return %c0_i32, %c0_i32_0 : i32, i32
  }
  func.func @transform_9(%arg0: i32) -> (i32, i32) {
    %c0_i32 = arith.constant 0 : i32
    %c0_i32_0 = arith.constant 0 : i32
    %c0_i32_1 = arith.constant 0 : i32
    return %c0_i32, %c0_i32_0 : i32, i32
  }
  func.func @transform_10(%arg0: i32) -> (i32, i32) {
    %c0_i32 = arith.constant 0 : i32
    %c0_i32_0 = arith.constant 0 : i32
    %c0_i32_1 = arith.constant 0 : i32
    return %c0_i32, %c0_i32_0 : i32, i32
  }
  func.func @transform_11(%arg0: i32) -> (i32, i32) {
    %c0_i32 = arith.constant 0 : i32
    %c0_i32_0 = arith.constant 0 : i32
    %c0_i32_1 = arith.constant 0 : i32
    return %c0_i32, %c0_i32_0 : i32, i32
  }
  func.func @transform_12(%arg0: i32) -> (i32, i32) {
    %c0_i32 = arith.constant 0 : i32
    %c0_i32_0 = arith.constant 0 : i32
    %c0_i32_1 = arith.constant 0 : i32
    return %c0_i32, %c0_i32_0 : i32, i32
  }
  func.func @transform_13(%arg0: i32) -> (i32, i32) {
    %c0_i32 = arith.constant 0 : i32
    %c0_i32_0 = arith.constant 0 : i32
    %c0_i32_1 = arith.constant 0 : i32
    return %c0_i32, %c0_i32_0 : i32, i32
  }
  func.func @transform_14(%arg0: i32) -> (i32, i32) {
    %c0_i32 = arith.constant 0 : i32
    %c0_i32_0 = arith.constant 0 : i32
    %c0_i32_1 = arith.constant 0 : i32
    return %c0_i32, %c0_i32_0 : i32, i32
  }
  func.func @transform_15(%arg0: i32) -> (i32, i32) {
    %c0_i32 = arith.constant 0 : i32
    %c0_i32_0 = arith.constant 0 : i32
    %c0_i32_1 = arith.constant 0 : i32
    return %c0_i32, %c0_i32_0 : i32, i32
  }
  func.func @transform_16(%arg0: i32) -> (i32, i32) {
    %c0_i32 = arith.constant 0 : i32
    %c0_i32_0 = arith.constant 0 : i32
    %c0_i32_1 = arith.constant 0 : i32
    return %c0_i32, %c0_i32_0 : i32, i32
  }
  func.func @transform_17(%arg0: i32) -> (i32, i32) {
    %c0_i32 = arith.constant 0 : i32
    %c0_i32_0 = arith.constant 0 : i32
    %c0_i32_1 = arith.constant 0 : i32
    return %c0_i32, %c0_i32_0 : i32, i32
  }
  func.func @transform_18(%arg0: i32) -> (i32, i32) {
    %c0_i32 = arith.constant 0 : i32
    %c0_i32_0 = arith.constant 0 : i32
    %c0_i32_1 = arith.constant 0 : i32
    return %c0_i32, %c0_i32_0 : i32, i32
  }
  func.func @transform_19(%arg0: i32) -> (i32, i32) {
    %c0_i32 = arith.constant 0 : i32
    %c0_i32_0 = arith.constant 0 : i32
    %c0_i32_1 = arith.constant 0 : i32
    return %c0_i32, %c0_i32_0 : i32, i32
  }
  func.func @transform_20(%arg0: i32) -> (i32, i32) {
    %c0_i32 = arith.constant 0 : i32
    %c0_i32_0 = arith.constant 0 : i32
    %c0_i32_1 = arith.constant 0 : i32
    return %c0_i32, %c0_i32_0 : i32, i32
  }
  func.func @transform_21(%arg0: i32) -> (i32, i32) {
    %c0_i32 = arith.constant 0 : i32
    %c0_i32_0 = arith.constant 0 : i32
    %c0_i32_1 = arith.constant 0 : i32
    return %c0_i32, %c0_i32_0 : i32, i32
  }
  func.func @transform_22(%arg0: i32) -> (i32, i32) {
    %c0_i32 = arith.constant 0 : i32
    %c0_i32_0 = arith.constant 0 : i32
    %c0_i32_1 = arith.constant 0 : i32
    return %c0_i32, %c0_i32_0 : i32, i32
  }
  func.func @transform_23(%arg0: i32) -> (i32, i32, i32) {
    %c0_i32 = arith.constant 0 : i32
    %c0_i32_0 = arith.constant 0 : i32
    %c0_i32_1 = arith.constant 0 : i32
    return %arg0, %c0_i32, %c0_i32_0 : i32, i32, i32
  }
}

</mosaic_0001>

<sc_bundles>
// kernel: kernel.4.cloned.1.call-start
scs
__scs_entry_jumppad:
0x0: {  	(pc) =	sbr.rel $0x88, $3  }
0x1: {  	(tag) =	ssettag $0x0;
	lr =	simm.s32 $0x1  }
0x2: {  	[smem:$0x3F8F] =	sst lr;
	_ =	strace $0xD0000000  }
0x3: {  	_ = 	snop  }
0x4: {  	_ = 	snop  }
0x5: {  	_ = 	snop  }
0x6: {  	_ = 	snop  }
0x7: {  	_ = 	snop  }
__scs_overlays_trampoline_lowered:
0x8: {  	[smem:$0x3F9E] =	sst s0  }
0x9: {  	[smem:$0x3F9F] =	sst s1  }
0xa: {  	[smem:$0x3FA0] =	sst s2  }
0xb: {  	[smem:$0x3FA1] =	sst s3  }
0xc: {  	[smem:$0x3FA2] =	sst s4  }
0xd: {  	[smem:$0x3FA3] =	sst s5  }
0xe: {  	[smem:$0x3FA4] =	sst s6  }
0xf: {  	[smem:$0x3FA5] =	sst s7  }
0x10: {  	[smem:$0x3FA6] =	sst s8  }
0x11: {  	[smem:$0x3FA7] =	sst s9;
	s0 =	simm.s32 @!p0 $0x0  }
0x12: {  	s1 =	sld [smem:$0x3F8D];
	s0 =	simm.s32 @p0 $0x1  }
0x13: {  	[smem:$0x3FA8] =	sst s0;
	s0 =	simm.s32 @!p1 $0x0  }
0x14: {  	s2 =	sld [smem:$0x3F8C];
	s0 =	simm.s32 @p1 $0x1  }
0x15: {  	[smem:$0x3FA9] =	sst s0;
	s0 =	simm.s32 @!p2 $0x0  }
0x16: {  	s3 =	sld [smem:$0x3FDB];
	s0 =	simm.s32 @p2 $0x1  }
0x17: {  	s4 =	simm.s32 $0x1BF5;
	[smem:$0x3FAB] =	sst s0  }
0x18: {  	s0 =	sld [smem:$0x3F8E];
	_ =	swait.ge [sflag:s4], $0x0  }
0x19: {  	s7 =	sld [smem:$0x3F8F]  }
0x1a: {  	s8 =	sadd.s32 $0xFFFFE003, lr  }
0x1b: {  	s9 =	sadd.s32 $0xFFFFFEF7, lr;
	s5 =	simm.s32 $0xFFFFFFFF;
	p2 =	slt.u32 s8, $0xFFFFF086  }
0x1c: {  	p1 =	slt.u32 s9, $0xF7A;
	s5 =	simm.s32 @!p2 $0x0  }
0x1d: {  	s5 =	simm.s32 @p1 $0x1;
	p0 =	seq.s32 s7, s2  }
0x1e: {  	s7 =	smul.u32 @!p0 $0xF7A, s2;
	p2 =	seq.s32 @!p0 s5, $0x0  }
0x1f: {  	s9 =	smul.u32 $0xF7A, s1;
	s8 =	simm.s32 @!p0 $0x1BF5;
	p2 =	por !p2, p0  }
0x20: {  	[sflag:s8] =	ssyncset.s32 @!p0 $0xFFFFF086;
	s6 =	sadd.s32 @!p0 s3, s7;
	s7 =	simm.s32 @!p0 $0x108  }
0x21: {  	s3 =	sadd.s32 s3, s9;
	s6 =	sadd.s32 @!p0 $0x88, s6;
	s7 =	simm.s32 @p2 $0x1082  }
0x22: {  	[simem:s7], [sflag:s8] =	dma.local @!p0 [hbm:s6], $0xF7A  }
0x23: {  	s9 =	sor.u32 $0xD0000000, s2;
	s6 =	simm.s32 $0x108;
	_ =	swait.ge @!p0 [sflag:s8], $0x0  }
0x24: {  	s3 =	sadd.s32 $0x88, s3;
	s6 =	simm.s32 @!p1 $0x1082;
	[sflag:s4] =	ssyncset.s32 $0xFFFFF086  }
0x25: {  	[simem:s6], [sflag:s4] =	dma.local [hbm:s3], $0xF7A  }
0x26: {  	[smem:$0x3F8F] =	sst s1;
	(tag) =	ssettag s2;
	_ =	strace s9  }
0x27: {  	s1 =	sld [smem:$0x3F9F]  }
0x28: {  	s2 =	sld [smem:$0x3FA0]  }
0x29: {  	s4 =	sld [smem:$0x3FA2]  }
0x2a: {  	p0 =	seq.s32 s5, $0x0;
	s5 =	sld [smem:$0x3FA3]  }
0x2b: {  	s6 =	sld [smem:$0x3FA4]  }
0x2c: {  	s7 =	sld [smem:$0x3FA5]  }
0x2d: {  	s3 =	simm.s32 $0x108;
	s8 =	sld [smem:$0x3FA6]  }
0x2e: {  	s3 =	simm.s32 @!p0 $0x1082;
	s9 =	sld [smem:$0x3FA7]  }
0x2f: {  	lr =	sadd.s32 s0, s3;
	s0 =	sld [smem:$0x3F9E]  }
0x30: {  	s3 =	sld [smem:$0x3FA1]  }
0x31: {  	[smem:$0x3FAA] =	sst s10  }
0x32: {  	s10 =	sld [smem:$0x3FA8];
	_ =	sdelay $0x3  }
0x33: {  	p0 =	seq.s32 s10, $0x1;
	s10 =	sld [smem:$0x3FAA];
	_ =	sdelay $0x3  }
0x34: {  	[smem:$0x3FAA] =	sst s10  }
0x35: {  	s10 =	sld [smem:$0x3FA9];
	_ =	sdelay $0x3  }
0x36: {  	p1 =	seq.s32 s10, $0x1;
	s10 =	sld [smem:$0x3FAA];
	_ =	sdelay $0x3  }
0x37: {  	[smem:$0x3FAA] =	sst s10  }
0x38: {  	s10 =	sld [smem:$0x3FAB]  }
0x39: {  	_ = 	snop;
	(pc) =	sbr.ind lr, $3  }
0x3a: {  	_ = 	snop  }
0x3b: {  	_ = 	snop  }
0x3c: {  	p2 =	seq.s32 s10, $0x1;
	s10 =	sld [smem:$0x3FAA]  }
0x3d: {  	_ =	shalt  }
0x3e: {  	_ =	shalt  }
0x3f: {  	_ =	shalt  }
0x40: {  	_ =	shalt  }
0x41: {  	_ =	shalt  }
0x42: {  	_ =	shalt  }
0x43: {  	_ =	shalt  }
0x44: {  	_ =	shalt  }
0x45: {  	_ =	shalt  }
0x46: {  	_ =	shalt  }
0x47: {  	_ =	shalt  }
0x48: {  	_ =	shalt  }
0x49: {  	_ =	shalt  }
0x4a: {  	_ =	shalt  }
0x4b: {  	_ =	shalt  }
0x4c: {  	_ =	shalt  }
0x4d: {  	_ =	shalt  }
0x4e: {  	_ =	shalt  }
0x4f: {  	_ =	shalt  }
0x50: {  	_ =	shalt  }
0x51: {  	_ =	shalt  }
0x52: {  	_ =	shalt  }
0x53: {  	_ =	shalt  }
0x54: {  	_ =	shalt  }
0x55: {  	_ =	shalt  }
0x56: {  	_ =	shalt  }
0x57: {  	_ =	shalt  }
0x58: {  	_ =	shalt  }
0x59: {  	_ =	shalt  }
0x5a: {  	_ =	shalt  }
0x5b: {  	_ =	shalt  }
0x5c: {  	_ =	shalt  }
0x5d: {  	_ =	shalt  }
0x5e: {  	_ =	shalt  }
0x5f: {  	_ =	shalt  }
0x60: {  	_ =	shalt  }
0x61: {  	_ =	shalt  }
0x62: {  	_ =	shalt  }
0x63: {  	_ =	shalt  }
0x64: {  	_ =	shalt  }
0x65: {  	_ =	shalt  }
0x66: {  	_ =	shalt  }
0x67: {  	_ =	shalt  }
0x68: {  	_ =	shalt  }
0x69: {  	_ =	shalt  }
0x6a: {  	_ =	shalt  }
0x6b: {  	_ =	shalt  }
0x6c: {  	_ =	shalt  }
0x6d: {  	_ =	shalt  }
0x6e: {  	_ =	shalt  }
0x6f: {  	_ =	shalt  }
0x70: {  	_ =	shalt  }
0x71: {  	_ =	shalt  }
0x72: {  	_ =	shalt  }
0x73: {  	_ =	shalt  }
0x74: {  	_ =	shalt  }
0x75: {  	_ =	shalt  }
0x76: {  	_ =	shalt  }
0x77: {  	_ =	shalt  }
0x78: {  	_ =	shalt  }
0x79: {  	_ =	shalt  }
0x7a: {  	_ =	shalt  }
0x7b: {  	_ =	shalt  }
0x7c: {  	_ =	shalt  }
0x7d: {  	_ =	shalt  }
0x7e: {  	_ =	shalt  }
0x7f: {  	_ =	shalt  }
0x80: {  	_ =	shalt  }
0x81: {  	_ =	shalt  }
0x82: {  	_ =	shalt  }
0x83: {  	_ =	shalt  }
0x84: {  	_ =	shalt  }
0x85: {  	_ =	shalt  }
0x86: {  	_ =	shalt  }
0x87: {  	_ =	shalt  }
.Lfunc_end0:
.L_simem_size_0:
called_computation_lowered:
.L_overlay_start_0:
0x88: {  	s2 =	sld [smem:$0x3FD9]  }
0x89: {  	s3 =	sld [smem:$0x3FFE];
	_ =	sdelay $0x1  }
0x8a: {  	s1 =	srdreg.scid  }
0x8b: {  	s0 =	sand.u32 $0x1, s1  }
0x8c: {  	s16 =	sshll.u32 s0, $0xA;
	s2 =	sadd.s32 s3, s2  }
0x8d: {  	s2 =	sadd.s32 s2, s16  }
0x8e: {  	[smem:$0x3FB6] =	sst s2  }
0x8f: {  	_ = 	snop  }
0x90: {  	(tm) =	ssettm $0x1  }
0x91: {  	s17 =	sld [smem:$0x3FFB];
	_ =	sdelay $0x3  }
0x92: {  	_ =	strace s17  }
0x93: {  	s2 =	sld [smem:$0x3FFC];
	_ =	sdelay $0x3  }
0x94: {  	_ =	strace s2  }
0x95: {  	s2 =	sld [smem:$0x3FFD];
	_ =	sdelay $0x3  }
0x96: {  	_ =	strace s2  }
0x97: {  	_ =	strace $0x8FFFFFFF  }
0x98: {  	s18 =	sld [smem:$0x3FDB];
	_ =	sdelay $0x1  }
0x99: {  	s19 =	simm.s32 $_scs_section_size  }
0x9a: {  	s4 =	simm.s32 $_size__tile_overlayer_lowered;
	s5 =	simm.s32 $_tile_overlayer_lowered  }
0x9b: {  	s22 =	simm.s32 $0x1BFF;
	s21 =	sshll.u32 s5, $0x1;
	s2 =	sadd.s32 s19, s18  }
0x9c: {  	s6 =	simm.s32 $0x0;
	s20 =	sshll.u32 s4, $0x1;
	s4 =	sadd.s32 s21, s2  }
0x9d: {  	[timem:s6], [sflag:s22] =	dma.local [hbm:s4], s20  }
0x9e: {  	_ =	swait.ge [sflag:s22], s20  }
0x9f: {  	s3 =	ssub.s32 $0x0, s20;
	[sflag:s22] =	ssyncset.done $0x0  }
0xa0: {  	[sflag:s22] =	ssyncadd.s32 s3;
	_ =	sdelay $0x1  }
0xa1: {  	s23 =	simm.s32 $0x1B8B  }
0xa2: {  	_ =	swait.ge [sflag:s23], $0x1  }
0xa3: {  	[sflag:s23] =	ssyncset.done $0x0  }
0xa4: {  	s25 =	simm.s32 $0x1B8E;
	s24 =	sld [smem:$0x3FFE];
	[sflag:s23] =	ssyncadd.s32 $0xFFFFFFFF  }
0xa5: {  	s26 =	simm.s32 $execute0_lowered;
	[smem:$0x3FD2] =	sst s25  }
0xa6: {  	s4 =	sshll.u32 s26, $0x1;
	_ =	strace $0x80000046;
	[dreg:$0x1] =	wrdreg $0xFFFFFFFF  }
0xa7: {  	s28 =	simm.s32 $_size_execute0_lowered;
	s2 =	sadd.s32 s2, s4;
	[dreg:$0x0] =	wrdreg $0x0  }
0xa8: {  	s4 =	sshll.u32 s28, $0x1;
	[dreg:$0x2] =	wrdreg s2  }
0xa9: {  	[dreg:$0x3] =	wrdreg s4  }
0xaa: {  	[dreg:$0x4] =	wrdreg $0xC0  }
0xab: {  	_ =	task [dreg:s6], $0x5FFFF  }
0xac: {  	[dreg:$0x1] =	wrdreg $0xFFFFFFFF  }
0xad: {  	[dreg:$0x0] =	wrdreg $0x60  }
0xae: {  	[dreg:$0x2] =	wrdreg s24  }
0xaf: {  	[dreg:$0x3] =	wrdreg $0x9  }
0xb0: {  	_ =	task.clear_ibuf [dreg:s6], $0x4FFFF;
	_ =	strace $0x90000046  }
0xb1: {  	s29 =	simm.s32 $0x9;
	_ =	strace $0x80000048  }
0xb2: {  	_ =	swait.ge [sflag:s29], $0x1  }
0xb3: {  	[sflag:s29] =	ssyncadd.s32 $0xFFFFFFFF  }
0xb4: {  	_ =	strace $0x90000048  }
0xb5: {  	_ =	sfence  }
0xb6: {  	s30 =	sld [smem:$0x0];
	_ =	sdelay $0x2  }
0xb7: {  	s31 =	sshll.u32 s1, $0xD;
	s1 =	sshrl.u32 s1, $0x2  }
0xb8: {  	s3 =	sand.u32 $0x4000, s31;
	s1 =	sadd.s32 s1, s30  }
0xb9: {  	s0 =	sor.u32 s3, s0;
	s1 =	sshll.u32 s1, $0x11  }
0xba: {  	s0 =	sor.u32 s1, s0  }
0xbb: {  	s0 =	sadd.s32 $0x8F2B, s0  }
0xbc: {  	[sflag:s0] =	ssyncadd.remote.s32 $0x1  }
0xbd: {  	_ =	sfence.sel $0xFFFF  }
0xbe: {  	[dreg:$0x0] =	wrdreg $0xFFFFFFFF;
	(pc) =	sbr.abs _section_cstart, $3  }
0xbf: {  	[dreg:$0x1] =	wrdreg $0xFFFFFFFF  }
0xc0: {  	_ =	task.clear_ibuf [dreg:s6], $0x2FFFF;
	_ =	strace $0x9FFFFFFF  }
0xc1: {  	(tm) =	ssettm $0x7FFFFFFF  }
tec
execute0_lowered:
.L_overlay_start_1:
0x0: {  	(tag) =	ssettag $0x1  }
0x1: {  	s1 =	srdreg.scid  }
0x2: {  	s0 =	stileid.u32;
	s8 =	rddreg [dreg:$0x0];
	s2 =	simm.s32 $0x0  }
0x3: {  	s7 =	sand.u32 $0x1, s1;
	s1 =	rddreg [dreg:$0x1];
	s5 =	sshrl.u32 s0, $0x2  }
0x4: {  	s26 =	sshll.u32 s0, $0x1;
	[smem:$0x7FF] =	sst s2;
	s10 =	smul.u32 $0x3E8, s5  }
0x5: {  	s4 =	sadd.s32 $0x2600, s8;
	s9 =	sor.u32 s7, s26;
	s5 =	smul.u32 $0x7D00, s5  }
0x6: {  	s6 =	sadd.s32 $0x16200, s8;
	s3 =	sand.u32 $0x7, s9;
	s13 =	smul.u32 $0x3D09, s9  }
0x7: {  	s18 =	sadd.s32 $0x1A000, s8;
	s12 =	sor.u32 $0x20, s9;
	s11 =	smul.u32 $0x7D, s3  }
0x8: {  	s9 =	sor.u32 $0x40, s9;
	s14 =	sshrl.u32 s12, $0x3;
	s12 =	smul.u32 $0x3D09, s12  }
0x9: {  	p0 =	sgt.u32 s0, $0x7;
	_ =	strace $0x80000047;
	s29 =	smul.u32 $0x3D09, s9  }
0xa: {  	s7 =	ssub.s32 $0x2, s7;
	s17 =	sshrl.u32 s9, $0x3;
	s15 =	smul.u32 $0x3E8, s14  }
0xb: {  	s16 =	sshrl.u32 s7, $0x1;
	s3 =	sadd.s32 $0xC400, s8;
	v1 =	vmov s10;
	s19 =	smul.u32 $0x3E8, s17  }
.Ltmp0:
0xc: {  	s16 =	ssub.s32 s7, s16;
	s7 =	sadd.s32 s18, s13;
	v1 =	vsub.s32 $0x0, v1;
	(pc) =	sbr.rel .LBB2_1-.Ltmp0, $4  }
0xd: {  	v6 =	vimm.f32 $1.000000000e+00;
	s8 =	smul.u32 $0x7D00, s14;
	s13 =	simm.s32 $0x1;
	s28 =	sadd.s32 s10, s11;
	v1 =	vbroadcast v1, $0x0  }
0xe: {  	s14 =	simm.s32 $0x1E880;
	s9 =	sadd.s32 s18, s12;
	v0 =	vmov s28;
	v2 =	vmov s15;
	s30 =	sadd.s32 s11, s15;
	v4 =	vmov s19  }
0xf: {  	s10 =	smul.u32 $0x7D00, s17;
	s12 =	smax.u32 s16, $0x1;
	s31 =	sadd.s32 s11, s19;
	v3 =	vsub.s32 $0x0, v2;
	v2 =	vmov s30;
	v5 =	vsub.s32 $0x0, v4  }
0x10: {  	s16 =	simm.s32 $0x0;
	s11 =	sadd.s32 s18, s29;
	s15 =	simm.s32 $0x1F080;
	v4 =	vmov s31;
	v3 =	vbroadcast v3, $0x0;
	v5 =	vbroadcast v5, $0x0  }
.LBB2_15:
0x11: {  	s16 =	sadd.s32 $0x1, s16  }
0x12: {  	p1 =	sne.s32 s16, s12  }
.Ltmp1:
0x13: {  	_ = 	snop;
	(pc) =	sbr.rel @!p1 .LBB2_16-.Ltmp1, $1  }
0x14: {  	_ =	sdelay $0x3  }
.LBB2_1:
0x15: {  	[tilespmem:s2], [sflag:$0x1] =	stream.linear.gather [hbm4b:s6+s2], $0x1E880, $0x38;
	[tilespmem:$0x1F880] =	vst v63  }
0x16: {  	_ =	swait.ge [sflag:s13], $0x1E880  }
0x17: {  	[sflag:s13] =	ssyncset.done $0x0  }
0x18: {  	s17 =	simm.s32 $0x0;
	[sflag:s13] =	ssyncadd.s32 $0xFFFE1780  }
.LBB2_2:
0x19: {  	s18 =	smul.u32 $0x7D0, s17;
	_ =	sdelay $0x1  }
0x1a: {  	s18 =	sadd.s32 s5, s18  }
0x1b: {  	s18 =	sshrl.u32 s18, $0x3  }
0x1c: {  	s19 =	sadd.s32 s3, s18  }
0x1d: {  	[tilespmem:s14], [sflag:$0x1] =	stream.linear.gather [hbm4b:s19+s2], $0x7D0, $0x38;
	[tilespmem:$0x1F880] =	vst v63  }
0x1e: {  	_ =	swait.ge [sflag:s13], $0x7D0  }
0x1f: {  	[sflag:s13] =	ssyncset.done $0x0  }
0x20: {  	s18 =	sadd.s32 s4, s18;
	[sflag:s13] =	ssyncadd.s32 $0xFFFFF830  }
0x21: {  	[tilespmem:s15], [sflag:$0x1] =	stream.linear.gather [hbm4b:s18+s2], $0x7D0, $0x38;
	[tilespmem:$0x1F880] =	vst v63  }
0x22: {  	_ =	swait.ge [sflag:s13], $0x7D0  }
0x23: {  	s20 =	simm.s32 $0x1E8A0;
	[sflag:s13] =	ssyncset.done $0x0  }
0x24: {  	s19 =	simm.s32 $0x1F0A0;
	s18 =	simm.s32 $0xFFFFFFFC;
	[sflag:s13] =	ssyncadd.s32 $0xFFFFF830  }
.LBB2_3:
0x25: {  	v7 =	vld [tilespmem:s19+$0xFFFFFFE0];
	_ =	sdelay $0x1  }
0x26: {  	v8 =	vld [tilespmem:s20+$0xFFFFFFE0];
	_ =	sdelay $0x2  }
0x27: {  	v7 =	vsub.s32 v7, v0  }
0x28: {  	v9 =	vmul.u32 $0x3E8, v7  }
0x29: {  	v8 =	vadd.s32 v1, v8  }
0x2a: {  	vm0 =	vlt.u32 v7, $0x7D;
	v7 =	vadd.s32 v9, v8  }
0x2b: {  	v7 =	vnsel vm0, $0x0, v7;
	_ =	sdelay $0x4  }
0x2c: {  	[tilespmem:v7+s2+$0x0] =	vst.idx.add.f32.msk vm0, v6  }
0x2d: {  	v7 =	vld [tilespmem:s19+$0xFFFFFFF0];
	_ =	sdelay $0x1  }
0x2e: {  	v8 =	vld [tilespmem:s20+$0xFFFFFFF0];
	_ =	sdelay $0x2  }
0x2f: {  	v7 =	vsub.s32 v7, v0  }
0x30: {  	v61 =	vmul.u32 $0x3E8, v7  }
0x31: {  	v8 =	vadd.s32 v1, v8  }
0x32: {  	vm13 =	vlt.u32 v7, $0x7D;
	v7 =	vadd.s32 v61, v8  }
0x33: {  	v7 =	vnsel vm13, $0x0, v7;
	_ =	sdelay $0x4  }
0x34: {  	[tilespmem:v7+s2+$0x0] =	vst.idx.add.f32.msk vm13, v6  }
0x35: {  	v7 =	vld [tilespmem:s19+$0x0];
	_ =	sdelay $0x1  }
0x36: {  	v8 =	vld [tilespmem:s20+$0x0];
	_ =	sdelay $0x2  }
0x37: {  	v7 =	vsub.s32 v7, v0  }
0x38: {  	v62 =	vmul.u32 $0x3E8, v7  }
0x39: {  	v8 =	vadd.s32 v1, v8  }
0x3a: {  	vm14 =	vlt.u32 v7, $0x7D;
	v7 =	vadd.s32 v62, v8  }
0x3b: {  	v7 =	vnsel vm14, $0x0, v7;
	_ =	sdelay $0x4  }
0x3c: {  	[tilespmem:v7+s2+$0x0] =	vst.idx.add.f32.msk vm14, v6  }
0x3d: {  	v7 =	vld [tilespmem:s19+$0x10];
	_ =	sdelay $0x1  }
0x3e: {  	v8 =	vld [tilespmem:s20+$0x10];
	_ =	sdelay $0x2  }
0x3f: {  	v7 =	vsub.s32 v7, v0  }
0x40: {  	v63 =	vmul.u32 $0x3E8, v7  }
0x41: {  	v8 =	vadd.s32 v1, v8  }
0x42: {  	s18 =	sadd.s32 $0x4, s18;
	vm15 =	vlt.u32 v7, $0x7D;
	v7 =	vadd.s32 v63, v8  }
0x43: {  	p1 =	slt.u32 s18, $0x78;
	v7 =	vnsel vm15, $0x0, v7  }
.Ltmp2:
0x44: {  	_ = 	snop;
	(pc) =	sbr.rel @p1 .LBB2_3-.Ltmp2, $2  }
0x45: {  	_ =	sdelay $0x2  }
0x46: {  	s19 =	sadd.s32 $0x40, s19;
	s20 =	sadd.s32 $0x40, s20;
	[tilespmem:v7+s2+$0x0] =	vst.idx.add.f32.msk vm15, v6  }
0x47: {  	v7 =	vld [tilespmem:$0x1F840];
	_ =	sdelay $0x1  }
0x48: {  	v8 =	vld [tilespmem:$0x1F040];
	_ =	sdelay $0x2  }
0x49: {  	v7 =	vsub.s32 v7, v0  }
0x4a: {  	v9 =	vmul.u32 $0x3E8, v7  }
0x4b: {  	v8 =	vadd.s32 v1, v8  }
0x4c: {  	s17 =	sadd.s32 $0x1, s17;
	vm0 =	vlt.u32 v7, $0x7D;
	v7 =	vadd.s32 v9, v8  }
0x4d: {  	p1 =	sne.s32 s17, $0x10;
	v7 =	vnsel vm0, $0x0, v7  }
.Ltmp3:
0x4e: {  	_ = 	snop;
	(pc) =	sbr.rel @p1 .LBB2_2-.Ltmp3, $2  }
0x4f: {  	_ =	sdelay $0x2  }
0x50: {  	[tilespmem:v7+s2+$0x0] =	vst.idx.add.f32.msk vm0, v6  }
0x51: {  	s17 =	simm.s32 $0x0  }
0x52: {  	[hbm4b:s7+s17] =	stream.linear.scatter [tilespmem:s17], [sflag:$0x1], $0x1E848, $0x38;
	[tilespmem:$0x1F880] =	vst v63  }
0x53: {  	_ =	swait.ge [sflag:s13], $0x1E848  }
0x54: {  	[sflag:s13] =	ssyncset.done $0x0  }
0x55: {  	[sflag:s13] =	ssyncadd.s32 $0xFFFE17B8  }
0x56: {  	[tilespmem:s17], [sflag:$0x1] =	stream.linear.gather [hbm4b:s6+s17], $0x1E880, $0x38;
	[tilespmem:$0x1F880] =	vst v63  }
0x57: {  	_ =	swait.ge [sflag:s13], $0x1E880  }
0x58: {  	[sflag:s13] =	ssyncset.done $0x0  }
0x59: {  	[sflag:s13] =	ssyncadd.s32 $0xFFFE1780  }
.LBB2_6:
0x5a: {  	s18 =	smul.u32 $0x7D0, s17;
	_ =	sdelay $0x1  }
0x5b: {  	s18 =	sadd.s32 s8, s18  }
0x5c: {  	s18 =	sshrl.u32 s18, $0x3  }
0x5d: {  	s19 =	sadd.s32 s3, s18  }
0x5e: {  	[tilespmem:s14], [sflag:$0x1] =	stream.linear.gather [hbm4b:s19+s2], $0x7D0, $0x38;
	[tilespmem:$0x1F880] =	vst v63  }
0x5f: {  	_ =	swait.ge [sflag:s13], $0x7D0  }
0x60: {  	[sflag:s13] =	ssyncset.done $0x0  }
0x61: {  	s18 =	sadd.s32 s4, s18;
	[sflag:s13] =	ssyncadd.s32 $0xFFFFF830  }
0x62: {  	[tilespmem:s15], [sflag:$0x1] =	stream.linear.gather [hbm4b:s18+s2], $0x7D0, $0x38;
	[tilespmem:$0x1F880] =	vst v63  }
0x63: {  	_ =	swait.ge [sflag:s13], $0x7D0  }
0x64: {  	s20 =	simm.s32 $0x1E8A0;
	[sflag:s13] =	ssyncset.done $0x0  }
0x65: {  	s19 =	simm.s32 $0x1F0A0;
	s18 =	simm.s32 $0xFFFFFFFC;
	[sflag:s13] =	ssyncadd.s32 $0xFFFFF830  }
.LBB2_7:
0x66: {  	v7 =	vld [tilespmem:s19+$0xFFFFFFE0];
	_ =	sdelay $0x1  }
0x67: {  	v8 =	vld [tilespmem:s20+$0xFFFFFFE0];
	_ =	sdelay $0x2  }
0x68: {  	v7 =	vsub.s32 v7, v2  }
0x69: {  	v9 =	vmul.u32 $0x3E8, v7  }
0x6a: {  	v8 =	vadd.s32 v3, v8  }
0x6b: {  	vm0 =	vlt.u32 v7, $0x7D;
	v7 =	vadd.s32 v9, v8  }
0x6c: {  	v7 =	vnsel vm0, $0x0, v7;
	_ =	sdelay $0x4  }
0x6d: {  	[tilespmem:v7+s2+$0x0] =	vst.idx.add.f32.msk vm0, v6  }
0x6e: {  	v7 =	vld [tilespmem:s19+$0xFFFFFFF0];
	_ =	sdelay $0x1  }
0x6f: {  	v8 =	vld [tilespmem:s20+$0xFFFFFFF0];
	_ =	sdelay $0x2  }
0x70: {  	v7 =	vsub.s32 v7, v2  }
0x71: {  	v61 =	vmul.u32 $0x3E8, v7  }
0x72: {  	v8 =	vadd.s32 v3, v8  }
0x73: {  	vm13 =	vlt.u32 v7, $0x7D;
	v7 =	vadd.s32 v61, v8  }
0x74: {  	v7 =	vnsel vm13, $0x0, v7;
	_ =	sdelay $0x4  }
0x75: {  	[tilespmem:v7+s2+$0x0] =	vst.idx.add.f32.msk vm13, v6  }
0x76: {  	v7 =	vld [tilespmem:s19+$0x0];
	_ =	sdelay $0x1  }
0x77: {  	v8 =	vld [tilespmem:s20+$0x0];
	_ =	sdelay $0x2  }
0x78: {  	v7 =	vsub.s32 v7, v2  }
0x79: {  	v62 =	vmul.u32 $0x3E8, v7  }
0x7a: {  	v8 =	vadd.s32 v3, v8  }
0x7b: {  	vm14 =	vlt.u32 v7, $0x7D;
	v7 =	vadd.s32 v62, v8  }
0x7c: {  	v7 =	vnsel vm14, $0x0, v7;
	_ =	sdelay $0x4  }
0x7d: {  	[tilespmem:v7+s2+$0x0] =	vst.idx.add.f32.msk vm14, v6  }
0x7e: {  	v7 =	vld [tilespmem:s19+$0x10];
	_ =	sdelay $0x1  }
0x7f: {  	v8 =	vld [tilespmem:s20+$0x10];
	_ =	sdelay $0x2  }
0x80: {  	v7 =	vsub.s32 v7, v2  }
0x81: {  	v63 =	vmul.u32 $0x3E8, v7  }
0x82: {  	v8 =	vadd.s32 v3, v8  }
0x83: {  	s18 =	sadd.s32 $0x4, s18;
	vm15 =	vlt.u32 v7, $0x7D;
	v7 =	vadd.s32 v63, v8  }
0x84: {  	p1 =	slt.u32 s18, $0x78;
	v7 =	vnsel vm15, $0x0, v7  }
.Ltmp4:
0x85: {  	_ = 	snop;
	(pc) =	sbr.rel @p1 .LBB2_7-.Ltmp4, $2  }
0x86: {  	_ =	sdelay $0x2  }
0x87: {  	s19 =	sadd.s32 $0x40, s19;
	s20 =	sadd.s32 $0x40, s20;
	[tilespmem:v7+s2+$0x0] =	vst.idx.add.f32.msk vm15, v6  }
0x88: {  	v7 =	vld [tilespmem:$0x1F840];
	_ =	sdelay $0x1  }
0x89: {  	v8 =	vld [tilespmem:$0x1F040];
	_ =	sdelay $0x2  }
0x8a: {  	v7 =	vsub.s32 v7, v2  }
0x8b: {  	v9 =	vmul.u32 $0x3E8, v7  }
0x8c: {  	v8 =	vadd.s32 v3, v8  }
0x8d: {  	s17 =	sadd.s32 $0x1, s17;
	vm0 =	vlt.u32 v7, $0x7D;
	v7 =	vadd.s32 v9, v8  }
0x8e: {  	p1 =	sne.s32 s17, $0x10;
	v7 =	vnsel vm0, $0x0, v7  }
.Ltmp5:
0x8f: {  	_ = 	snop;
	(pc) =	sbr.rel @p1 .LBB2_6-.Ltmp5, $2  }
0x90: {  	_ =	sdelay $0x2  }
0x91: {  	[tilespmem:v7+s2+$0x0] =	vst.idx.add.f32.msk vm0, v6  }
.Ltmp6:
0x92: {  	(pc) =	sbr.rel @p0 .LBB2_15-.Ltmp6, $4  }
0x93: {  	[hbm4b:s9+s2] =	stream.linear.scatter [tilespmem:s2], [sflag:$0x1], $0x1E848, $0x38;
	[tilespmem:$0x1F880] =	vst v63  }
0x94: {  	_ =	swait.ge [sflag:s13], $0x1E848  }
0x95: {  	[sflag:s13] =	ssyncset.done $0x0  }
0x96: {  	[sflag:s13] =	ssyncadd.s32 $0xFFFE17B8  }
0x97: {  	s17 =	simm.s32 $0x0  }
0x98: {  	[tilespmem:s17], [sflag:$0x1] =	stream.linear.gather [hbm4b:s6+s17], $0x1E880, $0x38;
	[tilespmem:$0x1F880] =	vst v63  }
0x99: {  	_ =	swait.ge [sflag:s13], $0x1E880  }
0x9a: {  	[sflag:s13] =	ssyncset.done $0x0  }
0x9b: {  	[sflag:s13] =	ssyncadd.s32 $0xFFFE1780  }
.LBB2_11:
0x9c: {  	s18 =	smul.u32 $0x7D0, s17;
	_ =	sdelay $0x1  }
0x9d: {  	s18 =	sadd.s32 s10, s18  }
0x9e: {  	s18 =	sshrl.u32 s18, $0x3  }
0x9f: {  	s19 =	sadd.s32 s3, s18  }
0xa0: {  	[tilespmem:s14], [sflag:$0x1] =	stream.linear.gather [hbm4b:s19+s2], $0x7D0, $0x38;
	[tilespmem:$0x1F880] =	vst v63  }
0xa1: {  	_ =	swait.ge [sflag:s13], $0x7D0  }
0xa2: {  	[sflag:s13] =	ssyncset.done $0x0  }
0xa3: {  	s18 =	sadd.s32 s4, s18;
	[sflag:s13] =	ssyncadd.s32 $0xFFFFF830  }
0xa4: {  	[tilespmem:s15], [sflag:$0x1] =	stream.linear.gather [hbm4b:s18+s2], $0x7D0, $0x38;
	[tilespmem:$0x1F880] =	vst v63  }
0xa5: {  	_ =	swait.ge [sflag:s13], $0x7D0  }
0xa6: {  	s20 =	simm.s32 $0x1E8A0;
	[sflag:s13] =	ssyncset.done $0x0  }
0xa7: {  	s19 =	simm.s32 $0x1F0A0;
	s18 =	simm.s32 $0xFFFFFFFC;
	[sflag:s13] =	ssyncadd.s32 $0xFFFFF830  }
.LBB2_12:
0xa8: {  	v7 =	vld [tilespmem:s19+$0xFFFFFFE0];
	_ =	sdelay $0x1  }
0xa9: {  	v8 =	vld [tilespmem:s20+$0xFFFFFFE0];
	_ =	sdelay $0x2  }
0xaa: {  	v7 =	vsub.s32 v7, v4  }
0xab: {  	v9 =	vmul.u32 $0x3E8, v7  }
0xac: {  	v8 =	vadd.s32 v5, v8  }
0xad: {  	vm0 =	vlt.u32 v7, $0x7D;
	v7 =	vadd.s32 v9, v8  }
0xae: {  	v7 =	vnsel vm0, $0x0, v7;
	_ =	sdelay $0x4  }
0xaf: {  	[tilespmem:v7+s2+$0x0] =	vst.idx.add.f32.msk vm0, v6  }
0xb0: {  	v7 =	vld [tilespmem:s19+$0xFFFFFFF0];
	_ =	sdelay $0x1  }
0xb1: {  	v8 =	vld [tilespmem:s20+$0xFFFFFFF0];
	_ =	sdelay $0x2  }
0xb2: {  	v7 =	vsub.s32 v7, v4  }
0xb3: {  	v61 =	vmul.u32 $0x3E8, v7  }
0xb4: {  	v8 =	vadd.s32 v5, v8  }
0xb5: {  	vm13 =	vlt.u32 v7, $0x7D;
	v7 =	vadd.s32 v61, v8  }
0xb6: {  	v7 =	vnsel vm13, $0x0, v7;
	_ =	sdelay $0x4  }
0xb7: {  	[tilespmem:v7+s2+$0x0] =	vst.idx.add.f32.msk vm13, v6  }
0xb8: {  	v7 =	vld [tilespmem:s19+$0x0];
	_ =	sdelay $0x1  }
0xb9: {  	v8 =	vld [tilespmem:s20+$0x0];
	_ =	sdelay $0x2  }
0xba: {  	v7 =	vsub.s32 v7, v4  }
0xbb: {  	v62 =	vmul.u32 $0x3E8, v7  }
0xbc: {  	v8 =	vadd.s32 v5, v8  }
0xbd: {  	vm14 =	vlt.u32 v7, $0x7D;
	v7 =	vadd.s32 v62, v8  }
0xbe: {  	v7 =	vnsel vm14, $0x0, v7;
	_ =	sdelay $0x4  }
0xbf: {  	[tilespmem:v7+s2+$0x0] =	vst.idx.add.f32.msk vm14, v6  }
0xc0: {  	v7 =	vld [tilespmem:s19+$0x10];
	_ =	sdelay $0x1  }
0xc1: {  	v8 =	vld [tilespmem:s20+$0x10];
	_ =	sdelay $0x2  }
0xc2: {  	v7 =	vsub.s32 v7, v4  }
0xc3: {  	v63 =	vmul.u32 $0x3E8, v7  }
0xc4: {  	v8 =	vadd.s32 v5, v8  }
0xc5: {  	s18 =	sadd.s32 $0x4, s18;
	vm15 =	vlt.u32 v7, $0x7D;
	v7 =	vadd.s32 v63, v8  }
0xc6: {  	p1 =	slt.u32 s18, $0x78;
	v7 =	vnsel vm15, $0x0, v7  }
.Ltmp7:
0xc7: {  	_ = 	snop;
	(pc) =	sbr.rel @p1 .LBB2_12-.Ltmp7, $2  }
0xc8: {  	_ =	sdelay $0x2  }
0xc9: {  	s19 =	sadd.s32 $0x40, s19;
	s20 =	sadd.s32 $0x40, s20;
	[tilespmem:v7+s2+$0x0] =	vst.idx.add.f32.msk vm15, v6  }
0xca: {  	v7 =	vld [tilespmem:$0x1F840];
	_ =	sdelay $0x1  }
0xcb: {  	v8 =	vld [tilespmem:$0x1F040];
	_ =	sdelay $0x2  }
0xcc: {  	v7 =	vsub.s32 v7, v4  }
0xcd: {  	v9 =	vmul.u32 $0x3E8, v7  }
0xce: {  	v8 =	vadd.s32 v5, v8  }
0xcf: {  	s17 =	sadd.s32 $0x1, s17;
	vm0 =	vlt.u32 v7, $0x7D;
	v7 =	vadd.s32 v9, v8  }
0xd0: {  	p1 =	sne.s32 s17, $0x10;
	v7 =	vnsel vm0, $0x0, v7  }
.Ltmp8:
0xd1: {  	_ = 	snop;
	(pc) =	sbr.rel @p1 .LBB2_11-.Ltmp8, $2  }
0xd2: {  	_ =	sdelay $0x2  }
0xd3: {  	[tilespmem:v7+s2+$0x0] =	vst.idx.add.f32.msk vm0, v6  }
.Ltmp9:
0xd4: {  	(pc) =	sbr.rel .LBB2_15-.Ltmp9, $4  }
0xd5: {  	[hbm4b:s11+s2] =	stream.linear.scatter [tilespmem:s2], [sflag:$0x1], $0x1E848, $0x38;
	[tilespmem:$0x1F880] =	vst v63  }
0xd6: {  	_ =	swait.ge [sflag:s13], $0x1E848  }
0xd7: {  	[sflag:s13] =	ssyncset.done $0x0  }
0xd8: {  	[sflag:s13] =	ssyncadd.s32 $0xFFFE17B8  }
.LBB2_16:
0xd9: {  	_ =	sfence.sel $0x180000  }
0xda: {  	[bflag:$0x0] =	sbarrier.arrive $0xFFFF  }
0xdb: {  	p0 =	sne.s32 s0, $0x0;
	_ =	strace $0x90000047  }
0xdc: {  	s0 =	sadd.s32 @!p0 $0x100000, s1;
	[bflag:$0x2] =	sbarrier.arrive $0xFFFF  }
0xdd: {  	[sflag:s0] =	ssyncadd.tile.s32 @!p0 $0x1;
	_ =	shalt  }
.Lfunc_end2:
_tile_overlayer_lowered:
.L_overlay_start_2:
0xde: {  	(tag) =	ssettag $0x2  }
0xdf: {  	s0 =	rddreg [dreg:$0x0];
	s2 =	stileid.u32  }
0xe0: {  	s1 =	rddreg [dreg:$0x1];
	p0 =	sne.s32 s2, $0x0  }
0xe1: {  	s3 =	rddreg [dreg:$0x2];
	[bflag:$0x3] =	sbarrier.arrive $0xFFFF;
	s2 =	simm.s32 @!p0 $0x1C01  }
0xe2: {  	[timem:s3], [sflag:s2] =	dma.local @!p0 [hbm:s0], s1  }
0xe3: {  	s0 =	simm.s32 @!p0 $0x1  }
0xe4: {  	_ =	swait.ge @!p0 [sflag:s0], s1  }
0xe5: {  	s1 =	ssub.s32 @!p0 $0x0, s1;
	[sflag:s0] =	ssyncset.done @!p0 $0x0  }
0xe6: {  	[sflag:s0] =	ssyncadd.s32 @!p0 s1  }
0xe7: {  	[bflag:$0x3] =	sbarrier.arrive $0xFFFF  }
0xe8: {  	_ =	shalt  }

</sc_bundles>
